<compile_context>
chip_gen: v7x
topology: tpu7x:2x2x1
jax: 0.10.2.dev20260603
libtpu: 0.0.44.dev20260713+nightly
codegen_flags: <defaults>
</compile_context>

<pallas_src>
import functools

import jax
import jax.numpy as jnp
from jax import lax
from jax.experimental import pallas as pl
from jax.experimental.pallas import tpu as pltpu
from jax.experimental.pallas import tpu_sc as plsc

N_C, N_G, N_P = 20000, 20000, 10000
N = N_C + N_G + N_P
E = 800000
D_IN, D_MID, D_HID = 256, 256, 64
N_REL = 4
DH = D_HID // 2

NUM_CORES = 2
NUM_TILES = 16
LANES = 16

CHUNK = 128
NP = 51200
ROWS_PER_TILE = NP // NUM_TILES
E_PAD = 802816
EPT = E_PAD // NUM_TILES
NCHUNK = EPT // CHUNK
KW = 2
NW = NCHUNK // KW
NCB = E_PAD // CHUNK
ZROWS = 64



def _enc_body(f_ref, w1_ref, b1_ref, w2_ref, b2_ref, o_ref):
    h = jnp.maximum(
        jnp.dot(f_ref[...], w1_ref[...],
                preferred_element_type=jnp.float32) + b1_ref[...], 0.0)
    o_ref[...] = jnp.tanh(
        jnp.dot(h, w2_ref[...],
                preferred_element_type=jnp.float32) + b2_ref[...])


def _encode_type(feat, w1, b1, w2, b2, rb):
    n = feat.shape[0]
    grid = n // rb
    return pl.pallas_call(
        _enc_body,
        grid=(grid,),
        in_specs=[
            pl.BlockSpec((rb, D_IN), lambda i: (i, 0)),
            pl.BlockSpec((D_IN, D_MID), lambda i: (0, 0)),
            pl.BlockSpec((1, D_MID), lambda i: (0, 0)),
            pl.BlockSpec((D_MID, D_HID), lambda i: (0, 0)),
            pl.BlockSpec((1, D_HID), lambda i: (0, 0)),
        ],
        out_specs=pl.BlockSpec((rb, D_HID), lambda i: (i, 0)),
        out_shape=jax.ShapeDtypeStruct((n, D_HID), jnp.float32),
    )(feat, w1, b1, w2, b2)


def _ytab_body(x_ref, w_ref, b_ref, o_ref):
    y = jnp.dot(x_ref[...], w_ref[...],
                preferred_element_type=jnp.float32) + b_ref[...]
    o_ref[0] = y[:, :N_REL * DH]
    o_ref[1] = y[:, N_REL * DH:]


def _make_ytab(x, w, b, rb):
    w_all = w.reshape(N_REL, D_HID, 2, DH).transpose(1, 2, 0, 3) \
             .reshape(D_HID, 2 * N_REL * DH)
    b_all = b.reshape(N_REL, 2, DH).transpose(1, 0, 2).reshape(1, 2 * N_REL * DH)
    out = pl.pallas_call(
        _ytab_body,
        grid=(N // rb,),
        in_specs=[
            pl.BlockSpec((rb, D_HID), lambda i: (i, 0)),
            pl.BlockSpec((D_HID, 2 * N_REL * DH), lambda i: (0, 0)),
            pl.BlockSpec((1, 2 * N_REL * DH), lambda i: (0, 0)),
        ],
        out_specs=pl.BlockSpec((2, rb, N_REL * DH), lambda i: (0, i, 0)),
        out_shape=jax.ShapeDtypeStruct((2, N, N_REL * DH), jnp.float32),
    )(x, w_all, b_all)
    return out.reshape(2 * N_REL * N, DH)


def _combine_body(a_ref, deg_ref, x_ref, g_ref, b_ref, o_ref):
    agg = jnp.concatenate([a_ref[0], a_ref[1]], axis=1)
    agg = agg / jnp.maximum(deg_ref[...], 1.0)
    h = jax.nn.gelu(agg) + x_ref[...]
    mu = jnp.mean(h, axis=-1, keepdims=True)
    var = jnp.mean((h - mu) ** 2, axis=-1, keepdims=True)
    o_ref[...] = (h - mu) * lax.rsqrt(var + 1e-5) * g_ref[...] + b_ref[...]


def _combine(a, deg, x, ln_g, ln_b, rb):
    grid = (N // rb,)
    return pl.pallas_call(
        _combine_body,
        grid=grid,
        in_specs=[
            pl.BlockSpec((2, rb, DH), lambda i: (0, i, 0)),
            pl.BlockSpec((rb, 1), lambda i: (i, 0)),
            pl.BlockSpec((rb, D_HID), lambda i: (i, 0)),
            pl.BlockSpec((1, D_HID), lambda i: (0, 0)),
            pl.BlockSpec((1, D_HID), lambda i: (0, 0)),
        ],
        out_specs=pl.BlockSpec((rb, D_HID), lambda i: (i, 0)),
        out_shape=jax.ShapeDtypeStruct((N, D_HID), jnp.float32),
    )(a, deg, x, ln_g.reshape(1, D_HID), ln_b.reshape(1, D_HID))



def _sc_body_common(with_deg, g_hbm, dst_hbm, ytab_hbm, *rest):
    if with_deg:
        (a_out, deg_out, gwin, g2win, dwin, rows, ones, zrow, zdeg,
         acc, degacc, isem, gsem) = rest
    else:
        (a_out, gwin, g2win, dwin, rows, zrow, acc, isem, gsem) = rest
        deg_out = ones = zdeg = degacc = None

    c = lax.axis_index("c")
    s = lax.axis_index("s")

    def zrow_body(i, _):
        zrow[i, pl.ds(0, LANES)] = jnp.zeros((LANES,), jnp.float32)
        zrow[i, pl.ds(LANES, LANES)] = jnp.zeros((LANES,), jnp.float32)
        return 0
    lax.fori_loop(0, ZROWS, zrow_body, 0)
    if with_deg:
        def zdeg_body(i, _):
            zdeg[pl.ds(i * LANES, LANES)] = jnp.zeros((LANES,), jnp.float32)
            return 0
        lax.fori_loop(0, ZROWS // LANES, zdeg_body, 0)

        def ones_body(i, _):
            ones[pl.ds(i * LANES, LANES)] = jnp.ones((LANES,), jnp.float32)
            return 0
        lax.fori_loop(0, CHUNK // LANES, ones_body, 0)

    row0 = s * ROWS_PER_TILE

    def zacc_body(j, _):
        off = row0 + j * ZROWS
        pltpu.sync_copy(zrow, acc.at[pl.ds(off, ZROWS)])
        if with_deg:
            pltpu.sync_copy(zdeg, degacc.at[pl.ds(off, ZROWS)])
        return 0
    lax.fori_loop(0, ROWS_PER_TILE // ZROWS, zacc_body, 0)

    plsc.subcore_barrier()

    base_cr = s * NCHUNK
    coff = c * (N_REL * N)

    def fire_idx(j):
        sl = lax.rem(j, 3) * KW
        roff = base_cr + j * KW
        pltpu.async_copy(g_hbm.at[pl.ds(roff, KW)],
                         gwin.at[pl.ds(sl, KW)], isem.at[lax.rem(j, 3)])
        pltpu.async_copy(dst_hbm.at[pl.ds(roff, KW)],
                         dwin.at[pl.ds(sl, KW)], isem.at[lax.rem(j, 3)])

    def wait_idx(j):
        sl = lax.rem(j, 3) * KW
        roff = base_cr + j * KW
        pltpu.make_async_copy(g_hbm.at[pl.ds(roff, KW)],
                              gwin.at[pl.ds(sl, KW)],
                              isem.at[lax.rem(j, 3)]).wait()
        pltpu.make_async_copy(dst_hbm.at[pl.ds(roff, KW)],
                              dwin.at[pl.ds(sl, KW)],
                              isem.at[lax.rem(j, 3)]).wait()

    def compute_g2(j):
        bi = lax.rem(j, 3) * KW
        bg = lax.rem(j, 2) * KW

        def row_body(r, _):
            def lane_body(i, _):
                g2win[bg + r, pl.ds(i * LANES, LANES)] = (
                    gwin[bi + r, pl.ds(i * LANES, LANES)] + coff)
                return 0
            lax.fori_loop(0, CHUNK // LANES, lane_body, 0)
            return 0
        lax.fori_loop(0, KW, row_body, 0)

    def fire_gathers(j):
        bg = lax.rem(j, 2) * KW
        rj = lax.rem(j, 2)
        for k in range(KW):
            pltpu.async_copy(ytab_hbm.at[g2win.at[bg + k]],
                             rows.at[rj, k], gsem.at[rj])

    fire_idx(0)
    fire_idx(1)
    wait_idx(0)
    compute_g2(0)
    fire_gathers(0)

    def win_body(w, _):
        bw = lax.rem(w, 2)
        bi = lax.rem(w, 3) * KW

        @pl.when(w + 2 < NW)
        def _():
            fire_idx(w + 2)

        @pl.when(w + 1 < NW)
        def _():
            wait_idx(w + 1)
            compute_g2(w + 1)
            fire_gathers(w + 1)

        bg = bw * KW
        for k in range(KW):
            pltpu.make_async_copy(ytab_hbm.at[g2win.at[bg + k]],
                                  rows.at[bw, k], gsem.at[bw]).wait()
            pltpu.sync_copy(rows.at[bw, k], acc.at[dwin.at[bi + k]], add=True)
            if with_deg:
                @pl.when(c == 0)
                def _():
                    pltpu.sync_copy(ones, degacc.at[dwin.at[bi + k]],
                                    add=True)
        return 0
    lax.fori_loop(0, NW, win_body, 0)

    plsc.subcore_barrier()

    pltpu.sync_copy(acc.at[pl.ds(row0, ROWS_PER_TILE)],
                    a_out.at[c, pl.ds(row0, ROWS_PER_TILE)])
    if with_deg:
        @pl.when(c == 0)
        def _():
            pltpu.sync_copy(degacc.at[pl.ds(row0, ROWS_PER_TILE)],
                            deg_out.at[pl.ds(row0, ROWS_PER_TILE)])


def _make_sc_kernel(with_deg):
    mesh = plsc.VectorSubcoreMesh(core_axis_name="c", subcore_axis_name="s",
                                  num_cores=NUM_CORES, num_subcores=NUM_TILES)
    out_type = [jax.ShapeDtypeStruct((NUM_CORES, NP, DH), jnp.float32)]
    scratch = [
        pltpu.VMEM((3 * KW, CHUNK), jnp.int32),
        pltpu.VMEM((2 * KW, CHUNK), jnp.int32),
        pltpu.VMEM((3 * KW, CHUNK), jnp.int32),
        pltpu.VMEM((2, KW, CHUNK, DH), jnp.float32),
    ]
    if with_deg:
        out_type.append(jax.ShapeDtypeStruct((NP,), jnp.float32))
        scratch.append(pltpu.VMEM((CHUNK,), jnp.float32))
    scratch.append(pltpu.VMEM((ZROWS, DH), jnp.float32))
    if with_deg:
        scratch.append(pltpu.VMEM((ZROWS,), jnp.float32))
    scratch.append(pltpu.VMEM_SHARED((NP, DH), jnp.float32))
    if with_deg:
        scratch.append(pltpu.VMEM_SHARED((NP,), jnp.float32))
    scratch.append(pltpu.SemaphoreType.DMA((3,)))
    scratch.append(pltpu.SemaphoreType.DMA((2,)))

    def body(g_hbm, dst_hbm, ytab_hbm, *rest):
        _sc_body_common(with_deg, g_hbm, dst_hbm, ytab_hbm, *rest)

    return pl.kernel(body, out_type=tuple(out_type), mesh=mesh,
                     scratch_types=tuple(scratch),
                     compiler_params=pltpu.CompilerParams(
                         use_tc_tiling_on_sc=False))


@functools.lru_cache(maxsize=None)
def _sc_kernel(with_deg):
    return _make_sc_kernel(with_deg)



def kernel(feat_c, feat_g, feat_p, node_type, edge_index, edge_type,
           emb_W, emb_b, adapt_W, adapt_b, conv_W, conv_b, ln_g, ln_b):
    assert feat_c.shape == (N_C, D_IN) and feat_p.shape == (N_P, D_IN)
    assert edge_index.shape == (2, E)
    n_layers = conv_W.shape[0]

    parts = []
    for t, feat in enumerate((feat_c, feat_g, feat_p)):
        parts.append(_encode_type(
            feat, emb_W[t], emb_b[t].reshape(1, D_MID),
            adapt_W[t], adapt_b[t].reshape(1, D_HID), rb=1000))
    x = jnp.concatenate(parts, axis=0)

    src = edge_index[0]
    dst = edge_index[1]
    g = src * N_REL + edge_type
    pad = E_PAD - E
    g_pad = jnp.concatenate([g, jnp.zeros((pad,), jnp.int32)]) \
               .reshape(NCB, CHUNK)
    dst_pad = jnp.concatenate([dst, jnp.full((pad,), N, jnp.int32)]) \
                 .reshape(NCB, CHUNK)

    deg = None
    for l in range(n_layers):
        ytab_flat = _make_ytab(x, conv_W[l], conv_b[l], rb=1000)
        if l == 0:
            a, deg = _sc_kernel(True)(g_pad, dst_pad, ytab_flat)
        else:
            (a,) = _sc_kernel(False)(g_pad, dst_pad, ytab_flat)
        x = _combine(a, deg.reshape(NP, 1), x, ln_g[l], ln_b[l], rb=1000)
    return x

# --- scband reference (transcript-rebuilt; emitter-appended) ---
"""Pipeline reference for scband-multimodal-feature-encoder-43928925503535 (READ-ONLY COPY).

The authoritative reference and input builder live on the scoring server;
editing this copy changes nothing except your own understanding.
"""

import jax, jax.numpy as jnp
import numpy as np


def setup_inputs(seed: int = 0) -> dict:
    key = jax.random.key(seed)
    ks = jax.random.split(key, 12)
    n_c, n_g, n_p = 20000, 20000, 10000
    N = n_c + n_g + n_p
    E = 800000
    d_in, d_mid, d_hid = 256, 256, 64
    n_types, n_rel, n_layers = 3, 4, 2
    feat_c = jax.random.normal(ks[0], (n_c, d_in), dtype=jnp.float32)
    feat_g = jax.random.normal(ks[1], (n_g, d_in), dtype=jnp.float32)
    feat_p = jax.random.normal(ks[2], (n_p, d_in), dtype=jnp.float32)
    node_type = jnp.concatenate([
        jnp.zeros((n_c,), jnp.int32),
        jnp.ones((n_g,), jnp.int32),
        jnp.full((n_p,), 2, jnp.int32),
    ])
    edge_index = jax.random.randint(ks[3], (2, E), 0, N, dtype=jnp.int32)
    edge_type = jax.random.randint(ks[4], (E,), 0, n_rel, dtype=jnp.int32)
    emb_W = jax.random.normal(ks[5], (n_types, d_in, d_mid), dtype=jnp.float32) * (1.0 / np.sqrt(d_in))
    emb_b = jnp.zeros((n_types, d_mid), jnp.float32)
    adapt_W = jax.random.normal(ks[6], (n_types, d_mid, d_hid), dtype=jnp.float32) * (1.0 / np.sqrt(d_mid))
    adapt_b = jnp.zeros((n_types, d_hid), jnp.float32)
    conv_W = jax.random.normal(ks[7], (n_layers, n_rel, d_hid, d_hid), dtype=jnp.float32) * (1.0 / np.sqrt(d_hid))
    conv_b = jnp.zeros((n_layers, n_rel, d_hid), jnp.float32)
    ln_g = jnp.ones((n_layers, d_hid), jnp.float32)
    ln_b = jnp.zeros((n_layers, d_hid), jnp.float32)
    return {
        "feat_c": feat_c, "feat_g": feat_g, "feat_p": feat_p,
        "node_type": node_type, "edge_index": edge_index, "edge_type": edge_type,
        "emb_W": emb_W, "emb_b": emb_b, "adapt_W": adapt_W, "adapt_b": adapt_b,
        "conv_W": conv_W, "conv_b": conv_b, "ln_g": ln_g, "ln_b": ln_b,
    }


def reference(feat_c, feat_g, feat_p, node_type, edge_index, edge_type,
              emb_W, emb_b, adapt_W, adapt_b, conv_W, conv_b, ln_g, ln_b):
    # --- HGNN.encode per node type: relu(Linear(in_dim -> 256)) ---
    feats = [feat_c, feat_g, feat_p]
    embs = [jax.nn.relu(feats[t] @ emb_W[t] + emb_b[t]) for t in range(3)]
    node_embedding = jnp.concatenate(embs, axis=0)  # [N, 256] stacked in type order
    N = node_embedding.shape[0]
    d_hid = adapt_W.shape[2]
    # --- type-wise adapt: res[node_type==t] = tanh(adapt_ws[t](emb)) ---
    res = jnp.zeros((N, d_hid), dtype=jnp.float32)
    for t in range(3):
        h = jnp.tanh(node_embedding @ adapt_W[t] + adapt_b[t])
        mask = (node_type == t)[:, None]
        res = jnp.where(mask, h, res)
    x = res
    # --- heterogeneous message-passing layers (relation-typed conv; GeneralConv
    #     source is unavailable, implemented as per-relation linear + mean
    #     scatter-aggregation + residual + LayerNorm) ---
    src = edge_index[0]
    dst = edge_index[1]
    n_layers = conv_W.shape[0]
    n_rel = conv_W.shape[1]
    ones_e = jnp.ones((src.shape[0],), dtype=x.dtype)
    for l in range(n_layers):
        agg = jnp.zeros_like(x)
        x_src = x[src]  # gather [E, d_hid]
        for r in range(n_rel):
            emask = (edge_type == r).astype(x.dtype)[:, None]
            msg = (x_src @ conv_W[l, r] + conv_b[l, r]) * emask
            agg = agg + jax.ops.segment_sum(msg, dst, num_segments=N)
        deg = jax.ops.segment_sum(ones_e, dst, num_segments=N)
        agg = agg / jnp.maximum(deg, 1.0)[:, None]
        h = jax.nn.gelu(agg) + x  # residual
        mu = jnp.mean(h, axis=-1, keepdims=True)
        var = jnp.var(h, axis=-1, keepdims=True)
        x = (h - mu) / jnp.sqrt(var + 1e-5) * ln_g[l] + ln_b[l]
    return x

if __name__ == "__main__":
    import jax
    _d = setup_inputs()
    print(jax.jit(kernel)(*tuple(_d.values())))

</pallas_src>

<mosaic_0001>
#map = affine_map<(d0, d1) -> (0, 0)>
#map1 = affine_map<(d0, d1) -> (0, 0, 0)>
#map2 = affine_map<(d0, d1) -> (0)>
module attributes {stable_mosaic.version = 14 : i64} {
  func.func @body(%arg0: i32, %arg1: i32, %arg2: memref<6272x128xi32, #tpu.memory_space<hbm>>, %arg3: memref<6272x128xi32, #tpu.memory_space<hbm>>, %arg4: memref<400000x32xf32, #tpu.memory_space<hbm>>, %arg5: memref<2x51200x32xf32, #tpu.memory_space<hbm>>, %arg6: memref<51200xf32, #tpu.memory_space<hbm>>, %arg7: memref<6x128xi32, #tpu.memory_space<vmem>>, %arg8: memref<4x128xi32, #tpu.memory_space<vmem>>, %arg9: memref<6x128xi32, #tpu.memory_space<vmem>>, %arg10: memref<2x2x128x32xf32, #tpu.memory_space<vmem>>, %arg11: memref<128xf32, #tpu.memory_space<vmem>>, %arg12: memref<64x32xf32, #tpu.memory_space<vmem>>, %arg13: memref<64xf32, #tpu.memory_space<vmem>>, %arg14: memref<51200x32xf32, #tpu.memory_space<vmem_shared>>, %arg15: memref<51200xf32, #tpu.memory_space<vmem_shared>>, %arg16: memref<3x!tpu.dma_semaphore, #tpu.memory_space<semaphore_mem>>, %arg17: memref<2x!tpu.dma_semaphore, #tpu.memory_space<semaphore_mem>>) attributes {dimension_semantics = [#tpu.dimension_semantics<core_parallel>, #tpu.dimension_semantics<subcore_parallel>], iteration_bounds = array<i64: 2, 16>, scalar_prefetch = 0 : i64, scratch_operands = 11 : i64, tpu.core_type = #tpu.core_type<sc_vector_subcore>, window_params = [{transform_indices = #map}, {transform_indices = #map}, {transform_indices = #map}, {transform_indices = #map1}, {transform_indices = #map2}]} {
    %scan3A = arith.constant 0 : i32
    %scan3A_0 = arith.constant 0 : i32
    %scan3A_1 = arith.constant 64 : i32
    %scan3A_2 = arith.addi %scan3A_0, %scan3A_1 : i32
    %scan3A_3 = arith.constant 1 : i32
    %scan3A_4 = scf.for %scan3A_192 = %scan3A_0 to %scan3A_2 step %scan3A_3 iter_args(%scan3A_193 = %scan3A) -> (i32)  : i32 {
      %broadcast_in_dim3A = arith.constant 0.000000e+00 : f32
      %broadcast_in_dim3A_194 = vector.broadcast %broadcast_in_dim3A : f32 to vector<16xf32>
      %swap3A = arith.index_cast %scan3A_192 : i32 to index
      %swap3A_195 = arith.constant 0 : index
      %swap3A_196 = tpu.vector_load %arg12[%swap3A, %swap3A_195] {strides = array<i32>} : memref<64x32xf32, #tpu.memory_space<vmem>>, vector<1x16xf32>,
      %swap3A_197 = vector.shape_cast %swap3A_196 : vector<1x16xf32> to vector<16xf32>
      %swap3A_198 = vector.shape_cast %broadcast_in_dim3A_194 : vector<16xf32> to vector<1x16xf32>
      tpu.vector_store %arg12[%swap3A, %swap3A_195], %swap3A_198 {strides = array<i32>} : memref<64x32xf32, #tpu.memory_space<vmem>>, vector<1x16xf32>,
      %broadcast_in_dim3A_199 = arith.constant 0.000000e+00 : f32
      %broadcast_in_dim3A_200 = vector.broadcast %broadcast_in_dim3A_199 : f32 to vector<16xf32>
      %swap3A_201 = arith.index_cast %scan3A_192 : i32 to index
      %swap3A_202 = arith.constant 16 : index
      %swap3A_203 = tpu.vector_load %arg12[%swap3A_201, %swap3A_202] {strides = array<i32>} : memref<64x32xf32, #tpu.memory_space<vmem>>, vector<1x16xf32>,
      %swap3A_204 = vector.shape_cast %swap3A_203 : vector<1x16xf32> to vector<16xf32>
      %swap3A_205 = vector.shape_cast %broadcast_in_dim3A_200 : vector<16xf32> to vector<1x16xf32>
      tpu.vector_store %arg12[%swap3A_201, %swap3A_202], %swap3A_205 {strides = array<i32>} : memref<64x32xf32, #tpu.memory_space<vmem>>, vector<1x16xf32>,
      %scan3A_206 = arith.constant 0 : i32
      scf.yield %scan3A_206 : i32
    }
    %scan3A_5 = arith.constant 64 : i32
    %scan3A_6 = arith.constant 0 : i32
    %scan3A_7 = arith.constant 0 : i32
    %scan3A_8 = arith.constant 4 : i32
    %scan3A_9 = arith.addi %scan3A_7, %scan3A_8 : i32
    %scan3A_10 = arith.constant 1 : i32
    %scan3A_11 = scf.for %scan3A_192 = %scan3A_7 to %scan3A_9 step %scan3A_10 iter_args(%scan3A_193 = %scan3A_6) -> (i32)  : i32 {
      %broadcast_in_dim3A = arith.constant 0.000000e+00 : f32
      %broadcast_in_dim3A_194 = vector.broadcast %broadcast_in_dim3A : f32 to vector<16xf32>
      %mul3A_195 = arith.constant 16 : i32
      %mul3A_196 = arith.muli %scan3A_192, %mul3A_195 : i32
      %swap3A = arith.index_cast %mul3A_196 : i32 to index
      %swap3A_197 = tpu.vector_load %arg13[%swap3A] {strides = array<i32>} : memref<64xf32, #tpu.memory_space<vmem>>, vector<16xf32>,
      %swap3A_198 = vector.shape_cast %swap3A_197 : vector<16xf32> to vector<16xf32>
      %swap3A_199 = vector.shape_cast %broadcast_in_dim3A_194 : vector<16xf32> to vector<16xf32>
      tpu.vector_store %arg13[%swap3A], %swap3A_199 {strides = array<i32>} : memref<64xf32, #tpu.memory_space<vmem>>, vector<16xf32>,
      %scan3A_200 = arith.constant 0 : i32
      scf.yield %scan3A_200 : i32
    }
    %scan3A_12 = arith.constant 4 : i32
    %scan3A_13 = arith.constant 0 : i32
    %scan3A_14 = arith.constant 0 : i32
    %scan3A_15 = arith.constant 8 : i32
    %scan3A_16 = arith.addi %scan3A_14, %scan3A_15 : i32
    %scan3A_17 = arith.constant 1 : i32
    %scan3A_18 = scf.for %scan3A_192 = %scan3A_14 to %scan3A_16 step %scan3A_17 iter_args(%scan3A_193 = %scan3A_13) -> (i32)  : i32 {
      %broadcast_in_dim3A = arith.constant 1.000000e+00 : f32
      %broadcast_in_dim3A_194 = vector.broadcast %broadcast_in_dim3A : f32 to vector<16xf32>
      %mul3A_195 = arith.constant 16 : i32
      %mul3A_196 = arith.muli %scan3A_192, %mul3A_195 : i32
      %swap3A = arith.index_cast %mul3A_196 : i32 to index
      %swap3A_197 = tpu.vector_load %arg11[%swap3A] {strides = array<i32>} : memref<128xf32, #tpu.memory_space<vmem>>, vector<16xf32>,
      %swap3A_198 = vector.shape_cast %swap3A_197 : vector<16xf32> to vector<16xf32>
      %swap3A_199 = vector.shape_cast %broadcast_in_dim3A_194 : vector<16xf32> to vector<16xf32>
      tpu.vector_store %arg11[%swap3A], %swap3A_199 {strides = array<i32>} : memref<128xf32, #tpu.memory_space<vmem>>, vector<16xf32>,
      %scan3A_200 = arith.constant 0 : i32
      scf.yield %scan3A_200 : i32
    }
    %scan3A_19 = arith.constant 8 : i32
    %mul3A = arith.constant 3200 : i32
    %mul3A_20 = arith.muli %arg1, %mul3A : i32
    %scan3A_21 = arith.constant 0 : i32
    %scan3A_22 = arith.constant 0 : i32
    %scan3A_23 = arith.constant 50 : i32
    %scan3A_24 = arith.addi %scan3A_22, %scan3A_23 : i32
    %scan3A_25 = arith.constant 1 : i32
    %scan3A_26 = scf.for %scan3A_192 = %scan3A_22 to %scan3A_24 step %scan3A_25 iter_args(%scan3A_193 = %scan3A_21) -> (i32)  : i32 {
      %mul3A_194 = arith.constant 64 : i32
      %mul3A_195 = arith.muli %scan3A_192, %mul3A_194 : i32
      %add3A_196 = arith.addi %mul3A_20, %mul3A_195 : i32
      "tpu.region"() ({
        %run_scoped3A = tpu.sem_alloc : memref<!tpu.dma_semaphore, #tpu.memory_space<semaphore_mem>>
        %dma_start3A_198 = arith.constant 0 : i32
        %dma_start3A_199 = tpu.memref_slice %arg14[%add3A_196, %dma_start3A_198] : memref<51200x32xf32, #tpu.memory_space<vmem_shared>> -> memref<64x32xf32, #tpu.memory_space<vmem_shared>>
        %dma_start3A_200 = arith.constant 0 : i32
        %dma_start3A_201 = tpu.memref_slice %arg14[%add3A_196, %dma_start3A_200] : memref<51200x32xf32, #tpu.memory_space<vmem_shared>> -> memref<64x32xf32, #tpu.memory_space<vmem_shared>>
        tpu.enqueue_dma source(%arg12 : memref<64x32xf32, #tpu.memory_space<vmem>>) target(%dma_start3A_201 : memref<64x32xf32, #tpu.memory_space<vmem_shared>>) target_semaphore(%run_scoped3A : memref<!tpu.dma_semaphore, #tpu.memory_space<semaphore_mem>>)
        %dma_wait3A_202 = arith.constant 0 : i32
        %dma_wait3A_203 = tpu.memref_slice %arg14[%add3A_196, %dma_wait3A_202] : memref<51200x32xf32, #tpu.memory_space<vmem_shared>> -> memref<64x32xf32, #tpu.memory_space<vmem_shared>>
        %dma_wait3A_204 = arith.constant 0 : i32
        %dma_wait3A_205 = tpu.memref_slice %arg14[%add3A_196, %dma_wait3A_204] : memref<51200x32xf32, #tpu.memory_space<vmem_shared>> -> memref<64x32xf32, #tpu.memory_space<vmem_shared>>
        tpu.wait_dma2 semaphore(%run_scoped3A : memref<!tpu.dma_semaphore, #tpu.memory_space<semaphore_mem>>) src(%arg12 : memref<64x32xf32, #tpu.memory_space<vmem>>) dst(%dma_wait3A_205 : memref<64x32xf32, #tpu.memory_space<vmem_shared>>)
        tpu.yield
      }) : () -> ()
      "tpu.region"() ({
        %run_scoped3A = tpu.sem_alloc : memref<!tpu.dma_semaphore, #tpu.memory_space<semaphore_mem>>
        %dma_start3A_198 = tpu.memref_slice %arg15[%add3A_196] : memref<51200xf32, #tpu.memory_space<vmem_shared>> -> memref<64xf32, #tpu.memory_space<vmem_shared>>
        %dma_start3A_199 = tpu.memref_slice %arg15[%add3A_196] : memref<51200xf32, #tpu.memory_space<vmem_shared>> -> memref<64xf32, #tpu.memory_space<vmem_shared>>
        tpu.enqueue_dma source(%arg13 : memref<64xf32, #tpu.memory_space<vmem>>) target(%dma_start3A_199 : memref<64xf32, #tpu.memory_space<vmem_shared>>) target_semaphore(%run_scoped3A : memref<!tpu.dma_semaphore, #tpu.memory_space<semaphore_mem>>)
        %dma_wait3A_200 = tpu.memref_slice %arg15[%add3A_196] : memref<51200xf32, #tpu.memory_space<vmem_shared>> -> memref<64xf32, #tpu.memory_space<vmem_shared>>
        %dma_wait3A_201 = tpu.memref_slice %arg15[%add3A_196] : memref<51200xf32, #tpu.memory_space<vmem_shared>> -> memref<64xf32, #tpu.memory_space<vmem_shared>>
        tpu.wait_dma2 semaphore(%run_scoped3A : memref<!tpu.dma_semaphore, #tpu.memory_space<semaphore_mem>>) src(%arg13 : memref<64xf32, #tpu.memory_space<vmem>>) dst(%dma_wait3A_201 : memref<64xf32, #tpu.memory_space<vmem_shared>>)
        tpu.yield
      }) : () -> ()
      %scan3A_197 = arith.constant 0 : i32
      scf.yield %scan3A_197 : i32
    }
    %scan3A_27 = arith.constant 50 : i32
    %barrier3A = arith.constant 0 : index
    tpu.barrier barrier_id(%barrier3A)
    %mul3A_28 = arith.constant 392 : i32
    %mul3A_29 = arith.muli %arg1, %mul3A_28 : i32
    %mul3A_30 = arith.constant 200000 : i32
    %mul3A_31 = arith.muli %arg0, %mul3A_30 : i32
    %rem3A = arith.constant 0 : i32
    %rem3A_32 = arith.constant 3 : i32
    %rem3A_33 = arith.remsi %rem3A, %rem3A_32 : i32
    %mul3A_34 = arith.constant 2 : i32
    %mul3A_35 = arith.muli %rem3A_33, %mul3A_34 : i32
    %add3A = arith.constant 0 : i32
    %add3A_36 = arith.addi %mul3A_29, %add3A : i32
    %rem3A_37 = arith.constant 0 : i32
    %rem3A_38 = arith.constant 3 : i32
    %rem3A_39 = arith.remsi %rem3A_37, %rem3A_38 : i32
    %dma_start3A = arith.constant 0 : i32
    %dma_start3A_40 = tpu.memref_slice %arg7[%mul3A_35, %dma_start3A] : memref<6x128xi32, #tpu.memory_space<vmem>> -> memref<2x128xi32, #tpu.memory_space<vmem>>
    %dma_start3A_41 = arith.constant 0 : i32
    %dma_start3A_42 = tpu.memref_slice %arg2[%add3A_36, %dma_start3A_41] : memref<6272x128xi32, #tpu.memory_space<hbm>> -> memref<2x128xi32, #tpu.memory_space<hbm>>
    %dma_start3A_43 = tpu.memref_slice %arg16[%rem3A_39] : memref<3x!tpu.dma_semaphore, #tpu.memory_space<semaphore_mem>> -> memref<1x!tpu.dma_semaphore, #tpu.memory_space<semaphore_mem>>
    %dma_start3A_44 = tpu.memref_squeeze %dma_start3A_43 : memref<1x!tpu.dma_semaphore, #tpu.memory_space<semaphore_mem>> -> memref<!tpu.dma_semaphore, #tpu.memory_space<semaphore_mem>>
    %dma_start3A_45 = arith.constant 0 : i32
    %dma_start3A_46 = tpu.memref_slice %arg7[%mul3A_35, %dma_start3A_45] : memref<6x128xi32, #tpu.memory_space<vmem>> -> memref<2x128xi32, #tpu.memory_space<vmem>>
    %dma_start3A_47 = arith.constant 0 : i32
    %dma_start3A_48 = tpu.memref_slice %arg2[%add3A_36, %dma_start3A_47] : memref<6272x128xi32, #tpu.memory_space<hbm>> -> memref<2x128xi32, #tpu.memory_space<hbm>>
    tpu.enqueue_dma source(%dma_start3A_48 : memref<2x128xi32, #tpu.memory_space<hbm>>) target(%dma_start3A_46 : memref<2x128xi32, #tpu.memory_space<vmem>>) target_semaphore(%dma_start3A_44 : memref<!tpu.dma_semaphore, #tpu.memory_space<semaphore_mem>>)
    %rem3A_49 = arith.constant 0 : i32
    %rem3A_50 = arith.constant 3 : i32
    %rem3A_51 = arith.remsi %rem3A_49, %rem3A_50 : i32
    %dma_start3A_52 = arith.constant 0 : i32
    %dma_start3A_53 = tpu.memref_slice %arg9[%mul3A_35, %dma_start3A_52] : memref<6x128xi32, #tpu.memory_space<vmem>> -> memref<2x128xi32, #tpu.memory_space<vmem>>
    %dma_start3A_54 = arith.constant 0 : i32
    %dma_start3A_55 = tpu.memref_slice %arg3[%add3A_36, %dma_start3A_54] : memref<6272x128xi32, #tpu.memory_space<hbm>> -> memref<2x128xi32, #tpu.memory_space<hbm>>
    %dma_start3A_56 = tpu.memref_slice %arg16[%rem3A_51] : memref<3x!tpu.dma_semaphore, #tpu.memory_space<semaphore_mem>> -> memref<1x!tpu.dma_semaphore, #tpu.memory_space<semaphore_mem>>
    %dma_start3A_57 = tpu.memref_squeeze %dma_start3A_56 : memref<1x!tpu.dma_semaphore, #tpu.memory_space<semaphore_mem>> -> memref<!tpu.dma_semaphore, #tpu.memory_space<semaphore_mem>>
    %dma_start3A_58 = arith.constant 0 : i32
    %dma_start3A_59 = tpu.memref_slice %arg9[%mul3A_35, %dma_start3A_58] : memref<6x128xi32, #tpu.memory_space<vmem>> -> memref<2x128xi32, #tpu.memory_space<vmem>>
    %dma_start3A_60 = arith.constant 0 : i32
    %dma_start3A_61 = tpu.memref_slice %arg3[%add3A_36, %dma_start3A_60] : memref<6272x128xi32, #tpu.memory_space<hbm>> -> memref<2x128xi32, #tpu.memory_space<hbm>>
    tpu.enqueue_dma source(%dma_start3A_61 : memref<2x128xi32, #tpu.memory_space<hbm>>) target(%dma_start3A_59 : memref<2x128xi32, #tpu.memory_space<vmem>>) target_semaphore(%dma_start3A_57 : memref<!tpu.dma_semaphore, #tpu.memory_space<semaphore_mem>>)
    %rem3A_62 = arith.constant 1 : i32
    %rem3A_63 = arith.constant 3 : i32
    %rem3A_64 = arith.remsi %rem3A_62, %rem3A_63 : i32
    %mul3A_65 = arith.constant 2 : i32
    %mul3A_66 = arith.muli %rem3A_64, %mul3A_65 : i32
    %add3A_67 = arith.constant 2 : i32
    %add3A_68 = arith.addi %mul3A_29, %add3A_67 : i32
    %rem3A_69 = arith.constant 1 : i32
    %rem3A_70 = arith.constant 3 : i32
    %rem3A_71 = arith.remsi %rem3A_69, %rem3A_70 : i32
    %dma_start3A_72 = arith.constant 0 : i32
    %dma_start3A_73 = tpu.memref_slice %arg7[%mul3A_66, %dma_start3A_72] : memref<6x128xi32, #tpu.memory_space<vmem>> -> memref<2x128xi32, #tpu.memory_space<vmem>>
    %dma_start3A_74 = arith.constant 0 : i32
    %dma_start3A_75 = tpu.memref_slice %arg2[%add3A_68, %dma_start3A_74] : memref<6272x128xi32, #tpu.memory_space<hbm>> -> memref<2x128xi32, #tpu.memory_space<hbm>>
    %dma_start3A_76 = tpu.memref_slice %arg16[%rem3A_71] : memref<3x!tpu.dma_semaphore, #tpu.memory_space<semaphore_mem>> -> memref<1x!tpu.dma_semaphore, #tpu.memory_space<semaphore_mem>>
    %dma_start3A_77 = tpu.memref_squeeze %dma_start3A_76 : memref<1x!tpu.dma_semaphore, #tpu.memory_space<semaphore_mem>> -> memref<!tpu.dma_semaphore, #tpu.memory_space<semaphore_mem>>
    %dma_start3A_78 = arith.constant 0 : i32
    %dma_start3A_79 = tpu.memref_slice %arg7[%mul3A_66, %dma_start3A_78] : memref<6x128xi32, #tpu.memory_space<vmem>> -> memref<2x128xi32, #tpu.memory_space<vmem>>
    %dma_start3A_80 = arith.constant 0 : i32
    %dma_start3A_81 = tpu.memref_slice %arg2[%add3A_68, %dma_start3A_80] : memref<6272x128xi32, #tpu.memory_space<hbm>> -> memref<2x128xi32, #tpu.memory_space<hbm>>
    tpu.enqueue_dma source(%dma_start3A_81 : memref<2x128xi32, #tpu.memory_space<hbm>>) target(%dma_start3A_79 : memref<2x128xi32, #tpu.memory_space<vmem>>) target_semaphore(%dma_start3A_77 : memref<!tpu.dma_semaphore, #tpu.memory_space<semaphore_mem>>)
    %rem3A_82 = arith.constant 1 : i32
    %rem3A_83 = arith.constant 3 : i32
    %rem3A_84 = arith.remsi %rem3A_82, %rem3A_83 : i32
    %dma_start3A_85 = arith.constant 0 : i32
    %dma_start3A_86 = tpu.memref_slice %arg9[%mul3A_66, %dma_start3A_85] : memref<6x128xi32, #tpu.memory_space<vmem>> -> memref<2x128xi32, #tpu.memory_space<vmem>>
    %dma_start3A_87 = arith.constant 0 : i32
    %dma_start3A_88 = tpu.memref_slice %arg3[%add3A_68, %dma_start3A_87] : memref<6272x128xi32, #tpu.memory_space<hbm>> -> memref<2x128xi32, #tpu.memory_space<hbm>>
    %dma_start3A_89 = tpu.memref_slice %arg16[%rem3A_84] : memref<3x!tpu.dma_semaphore, #tpu.memory_space<semaphore_mem>> -> memref<1x!tpu.dma_semaphore, #tpu.memory_space<semaphore_mem>>
    %dma_start3A_90 = tpu.memref_squeeze %dma_start3A_89 : memref<1x!tpu.dma_semaphore, #tpu.memory_space<semaphore_mem>> -> memref<!tpu.dma_semaphore, #tpu.memory_space<semaphore_mem>>
    %dma_start3A_91 = arith.constant 0 : i32
    %dma_start3A_92 = tpu.memref_slice %arg9[%mul3A_66, %dma_start3A_91] : memref<6x128xi32, #tpu.memory_space<vmem>> -> memref<2x128xi32, #tpu.memory_space<vmem>>
    %dma_start3A_93 = arith.constant 0 : i32
    %dma_start3A_94 = tpu.memref_slice %arg3[%add3A_68, %dma_start3A_93] : memref<6272x128xi32, #tpu.memory_space<hbm>> -> memref<2x128xi32, #tpu.memory_space<hbm>>
    tpu.enqueue_dma source(%dma_start3A_94 : memref<2x128xi32, #tpu.memory_space<hbm>>) target(%dma_start3A_92 : memref<2x128xi32, #tpu.memory_space<vmem>>) target_semaphore(%dma_start3A_90 : memref<!tpu.dma_semaphore, #tpu.memory_space<semaphore_mem>>)
    %rem3A_95 = arith.constant 0 : i32
    %rem3A_96 = arith.constant 3 : i32
    %rem3A_97 = arith.remsi %rem3A_95, %rem3A_96 : i32
    %mul3A_98 = arith.constant 2 : i32
    %mul3A_99 = arith.muli %rem3A_97, %mul3A_98 : i32
    %add3A_100 = arith.constant 0 : i32
    %add3A_101 = arith.addi %mul3A_29, %add3A_100 : i32
    %rem3A_102 = arith.constant 0 : i32
    %rem3A_103 = arith.constant 3 : i32
    %rem3A_104 = arith.remsi %rem3A_102, %rem3A_103 : i32
    %dma_wait3A = arith.constant 0 : i32
    %dma_wait3A_105 = tpu.memref_slice %arg7[%mul3A_99, %dma_wait3A] : memref<6x128xi32, #tpu.memory_space<vmem>> -> memref<2x128xi32, #tpu.memory_space<vmem>>
    %dma_wait3A_106 = arith.constant 0 : i32
    %dma_wait3A_107 = tpu.memref_slice %arg2[%add3A_101, %dma_wait3A_106] : memref<6272x128xi32, #tpu.memory_space<hbm>> -> memref<2x128xi32, #tpu.memory_space<hbm>>
    %dma_wait3A_108 = tpu.memref_slice %arg16[%rem3A_104] : memref<3x!tpu.dma_semaphore, #tpu.memory_space<semaphore_mem>> -> memref<1x!tpu.dma_semaphore, #tpu.memory_space<semaphore_mem>>
    %dma_wait3A_109 = tpu.memref_squeeze %dma_wait3A_108 : memref<1x!tpu.dma_semaphore, #tpu.memory_space<semaphore_mem>> -> memref<!tpu.dma_semaphore, #tpu.memory_space<semaphore_mem>>
    %dma_wait3A_110 = arith.constant 0 : i32
    %dma_wait3A_111 = tpu.memref_slice %arg7[%mul3A_99, %dma_wait3A_110] : memref<6x128xi32, #tpu.memory_space<vmem>> -> memref<2x128xi32, #tpu.memory_space<vmem>>
    %dma_wait3A_112 = arith.constant 0 : i32
    %dma_wait3A_113 = tpu.memref_slice %arg2[%add3A_101, %dma_wait3A_112] : memref<6272x128xi32, #tpu.memory_space<hbm>> -> memref<2x128xi32, #tpu.memory_space<hbm>>
    tpu.wait_dma2 semaphore(%dma_wait3A_109 : memref<!tpu.dma_semaphore, #tpu.memory_space<semaphore_mem>>) src(%dma_wait3A_113 : memref<2x128xi32, #tpu.memory_space<hbm>>) dst(%dma_wait3A_111 : memref<2x128xi32, #tpu.memory_space<vmem>>)
    %rem3A_114 = arith.constant 0 : i32
    %rem3A_115 = arith.constant 3 : i32
    %rem3A_116 = arith.remsi %rem3A_114, %rem3A_115 : i32
    %dma_wait3A_117 = arith.constant 0 : i32
    %dma_wait3A_118 = tpu.memref_slice %arg9[%mul3A_99, %dma_wait3A_117] : memref<6x128xi32, #tpu.memory_space<vmem>> -> memref<2x128xi32, #tpu.memory_space<vmem>>
    %dma_wait3A_119 = arith.constant 0 : i32
    %dma_wait3A_120 = tpu.memref_slice %arg3[%add3A_101, %dma_wait3A_119] : memref<6272x128xi32, #tpu.memory_space<hbm>> -> memref<2x128xi32, #tpu.memory_space<hbm>>
    %dma_wait3A_121 = tpu.memref_slice %arg16[%rem3A_116] : memref<3x!tpu.dma_semaphore, #tpu.memory_space<semaphore_mem>> -> memref<1x!tpu.dma_semaphore, #tpu.memory_space<semaphore_mem>>
    %dma_wait3A_122 = tpu.memref_squeeze %dma_wait3A_121 : memref<1x!tpu.dma_semaphore, #tpu.memory_space<semaphore_mem>> -> memref<!tpu.dma_semaphore, #tpu.memory_space<semaphore_mem>>
    %dma_wait3A_123 = arith.constant 0 : i32
    %dma_wait3A_124 = tpu.memref_slice %arg9[%mul3A_99, %dma_wait3A_123] : memref<6x128xi32, #tpu.memory_space<vmem>> -> memref<2x128xi32, #tpu.memory_space<vmem>>
    %dma_wait3A_125 = arith.constant 0 : i32
    %dma_wait3A_126 = tpu.memref_slice %arg3[%add3A_101, %dma_wait3A_125] : memref<6272x128xi32, #tpu.memory_space<hbm>> -> memref<2x128xi32, #tpu.memory_space<hbm>>
    tpu.wait_dma2 semaphore(%dma_wait3A_122 : memref<!tpu.dma_semaphore, #tpu.memory_space<semaphore_mem>>) src(%dma_wait3A_126 : memref<2x128xi32, #tpu.memory_space<hbm>>) dst(%dma_wait3A_124 : memref<2x128xi32, #tpu.memory_space<vmem>>)
    %rem3A_127 = arith.constant 0 : i32
    %rem3A_128 = arith.constant 3 : i32
    %rem3A_129 = arith.remsi %rem3A_127, %rem3A_128 : i32
    %mul3A_130 = arith.constant 2 : i32
    %mul3A_131 = arith.muli %rem3A_129, %mul3A_130 : i32
    %rem3A_132 = arith.constant 0 : i32
    %rem3A_133 = arith.constant 2 : i32
    %rem3A_134 = arith.remsi %rem3A_132, %rem3A_133 : i32
    %mul3A_135 = arith.constant 2 : i32
    %mul3A_136 = arith.muli %rem3A_134, %mul3A_135 : i32
    %scan3A_137 = arith.constant 0 : i32
    %scan3A_138 = arith.constant 0 : i32
    %scan3A_139 = arith.constant 2 : i32
    %scan3A_140 = arith.addi %scan3A_138, %scan3A_139 : i32
    %scan3A_141 = arith.constant 1 : i32
    %scan3A_142 = scf.for %scan3A_192 = %scan3A_138 to %scan3A_140 step %scan3A_141 iter_args(%scan3A_193 = %scan3A_137) -> (i32)  : i32 {
      %scan3A_194 = arith.constant 0 : i32
      %scan3A_195 = arith.constant 0 : i32
      %scan3A_196 = arith.constant 8 : i32
      %scan3A_197 = arith.addi %scan3A_195, %scan3A_196 : i32
      %scan3A_198 = arith.constant 1 : i32
      %scan3A_199 = scf.for %scan3A_202 = %scan3A_195 to %scan3A_197 step %scan3A_198 iter_args(%scan3A_203 = %scan3A_194) -> (i32)  : i32 {
        %add3A_204 = arith.addi %mul3A_131, %scan3A_192 : i32
        %mul3A_205 = arith.constant 16 : i32
        %mul3A_206 = arith.muli %scan3A_202, %mul3A_205 : i32
        %get3A = arith.index_cast %add3A_204 : i32 to index
        %get3A_207 = arith.index_cast %mul3A_206 : i32 to index
        %get3A_208 = tpu.vector_load %arg7[%get3A, %get3A_207] {strides = array<i32>} : memref<6x128xi32, #tpu.memory_space<vmem>>, vector<1x16xi32>,
        %get3A_209 = vector.shape_cast %get3A_208 : vector<1x16xi32> to vector<16xi32>
        %add3A_210 = vector.broadcast %mul3A_31 : i32 to vector<16xi32>
        %add3A_211 = arith.addi %get3A_209, %add3A_210 : vector<16xi32>
        %add3A_212 = arith.addi %mul3A_136, %scan3A_192 : i32
        %mul3A_213 = arith.constant 16 : i32
        %mul3A_214 = arith.muli %scan3A_202, %mul3A_213 : i32
        %swap3A = arith.index_cast %add3A_212 : i32 to index
        %swap3A_215 = arith.index_cast %mul3A_214 : i32 to index
        %swap3A_216 = tpu.vector_load %arg8[%swap3A, %swap3A_215] {strides = array<i32>} : memref<4x128xi32, #tpu.memory_space<vmem>>, vector<1x16xi32>,
        %swap3A_217 = vector.shape_cast %swap3A_216 : vector<1x16xi32> to vector<16xi32>
        %swap3A_218 = vector.shape_cast %add3A_211 : vector<16xi32> to vector<1x16xi32>
        tpu.vector_store %arg8[%swap3A, %swap3A_215], %swap3A_218 {strides = array<i32>} : memref<4x128xi32, #tpu.memory_space<vmem>>, vector<1x16xi32>,
        %scan3A_219 = arith.constant 0 : i32
        scf.yield %scan3A_219 : i32
      }
      %scan3A_200 = arith.constant 8 : i32
      %scan3A_201 = arith.constant 0 : i32
      scf.yield %scan3A_201 : i32
    }
    %scan3A_143 = arith.constant 2 : i32
    %rem3A_144 = arith.constant 0 : i32
    %rem3A_145 = arith.constant 2 : i32
    %rem3A_146 = arith.remsi %rem3A_144, %rem3A_145 : i32
    %mul3A_147 = arith.constant 2 : i32
    %mul3A_148 = arith.muli %rem3A_146, %mul3A_147 : i32
    %rem3A_149 = arith.constant 0 : i32
    %rem3A_150 = arith.constant 2 : i32
    %rem3A_151 = arith.remsi %rem3A_149, %rem3A_150 : i32
    %add3A_152 = arith.constant 0 : i32
    %add3A_153 = arith.addi %mul3A_148, %add3A_152 : i32
    %dma_start3A_154 = arith.constant 0 : i32
    %dma_start3A_155 = arith.constant 0 : i32
    %dma_start3A_156 = arith.constant 0 : i32
    %dma_start3A_157 = tpu.memref_slice %arg10[%rem3A_151, %dma_start3A_154, %dma_start3A_155, %dma_start3A_156] : memref<2x2x128x32xf32, #tpu.memory_space<vmem>> -> memref<1x1x128x32xf32, #tpu.memory_space<vmem>>
    %dma_start3A_158 = tpu.memref_squeeze %dma_start3A_157 : memref<1x1x128x32xf32, #tpu.memory_space<vmem>> -> memref<128x32xf32, #tpu.memory_space<vmem>>
    %dma_start3A_159 = arith.constant 0 : i32
    %dma_start3A_160 = tpu.memref_slice %arg8[%add3A_153, %dma_start3A_159] : memref<4x128xi32, #tpu.memory_space<vmem>> -> memref<1x128xi32, #tpu.memory_space<vmem>>
    %dma_start3A_161 = tpu.memref_squeeze %dma_start3A_160 : memref<1x128xi32, #tpu.memory_space<vmem>> -> memref<128xi32, #tpu.memory_space<vmem>>
    %dma_start3A_162 = arith.constant 0 : i32
    %dma_start3A_163 = arith.constant 0 : i32
    %dma_start3A_164 = tpu.memref_slice %arg4[%dma_start3A_162, %dma_start3A_163] : memref<400000x32xf32, #tpu.memory_space<hbm>> -> memref<400000x32xf32, #tpu.memory_space<hbm>>
    %dma_start3A_165 = tpu.memref_slice %arg17[%rem3A_151] : memref<2x!tpu.dma_semaphore, #tpu.memory_space<semaphore_mem>> -> memref<1x!tpu.dma_semaphore, #tpu.memory_space<semaphore_mem>>
    %dma_start3A_166 = tpu.memref_squeeze %dma_start3A_165 : memref<1x!tpu.dma_semaphore, #tpu.memory_space<semaphore_mem>> -> memref<!tpu.dma_semaphore, #tpu.memory_space<semaphore_mem>>
    tpu.enqueue_indirect_dma source(%dma_start3A_164 : memref<400000x32xf32, #tpu.memory_space<hbm>>) target(%dma_start3A_158 : memref<128x32xf32, #tpu.memory_space<vmem>>) offsets(%dma_start3A_161 : memref<128xi32, #tpu.memory_space<vmem>>) semaphore(%dma_start3A_166 : memref<!tpu.dma_semaphore, #tpu.memory_space<semaphore_mem>>)
    %add3A_167 = arith.constant 1 : i32
    %add3A_168 = arith.addi %mul3A_148, %add3A_167 : i32
    %dma_start3A_169 = arith.constant 1 : i32
    %dma_start3A_170 = arith.constant 0 : i32
    %dma_start3A_171 = arith.constant 0 : i32
    %dma_start3A_172 = tpu.memref_slice %arg10[%rem3A_151, %dma_start3A_169, %dma_start3A_170, %dma_start3A_171] : memref<2x2x128x32xf32, #tpu.memory_space<vmem>> -> memref<1x1x128x32xf32, #tpu.memory_space<vmem>>
    %dma_start3A_173 = tpu.memref_squeeze %dma_start3A_172 : memref<1x1x128x32xf32, #tpu.memory_space<vmem>> -> memref<128x32xf32, #tpu.memory_space<vmem>>
    %dma_start3A_174 = arith.constant 0 : i32
    %dma_start3A_175 = tpu.memref_slice %arg8[%add3A_168, %dma_start3A_174] : memref<4x128xi32, #tpu.memory_space<vmem>> -> memref<1x128xi32, #tpu.memory_space<vmem>>
    %dma_start3A_176 = tpu.memref_squeeze %dma_start3A_175 : memref<1x128xi32, #tpu.memory_space<vmem>> -> memref<128xi32, #tpu.memory_space<vmem>>
    %dma_start3A_177 = arith.constant 0 : i32
    %dma_start3A_178 = arith.constant 0 : i32
    %dma_start3A_179 = tpu.memref_slice %arg4[%dma_start3A_177, %dma_start3A_178] : memref<400000x32xf32, #tpu.memory_space<hbm>> -> memref<400000x32xf32, #tpu.memory_space<hbm>>
    %dma_start3A_180 = tpu.memref_slice %arg17[%rem3A_151] : memref<2x!tpu.dma_semaphore, #tpu.memory_space<semaphore_mem>> -> memref<1x!tpu.dma_semaphore, #tpu.memory_space<semaphore_mem>>
    %dma_start3A_181 = tpu.memref_squeeze %dma_start3A_180 : memref<1x!tpu.dma_semaphore, #tpu.memory_space<semaphore_mem>> -> memref<!tpu.dma_semaphore, #tpu.memory_space<semaphore_mem>>
    tpu.enqueue_indirect_dma source(%dma_start3A_179 : memref<400000x32xf32, #tpu.memory_space<hbm>>) target(%dma_start3A_173 : memref<128x32xf32, #tpu.memory_space<vmem>>) offsets(%dma_start3A_176 : memref<128xi32, #tpu.memory_space<vmem>>) semaphore(%dma_start3A_181 : memref<!tpu.dma_semaphore, #tpu.memory_space<semaphore_mem>>)
    %scan3A_182 = arith.constant 0 : i32
    %scan3A_183 = arith.constant 0 : i32
    %scan3A_184 = arith.constant 196 : i32
    %scan3A_185 = arith.addi %scan3A_183, %scan3A_184 : i32
    %scan3A_186 = arith.constant 1 : i32
    %scan3A_187 = scf.for %scan3A_192 = %scan3A_183 to %scan3A_185 step %scan3A_186 iter_args(%scan3A_193 = %scan3A_182) -> (i32)  : i32 {
      %rem3A_194 = arith.constant 2 : i32
      %rem3A_195 = arith.remsi %scan3A_192, %rem3A_194 : i32
      %rem3A_196 = arith.constant 3 : i32
      %rem3A_197 = arith.remsi %scan3A_192, %rem3A_196 : i32
      %mul3A_198 = arith.constant 2 : i32
      %mul3A_199 = arith.muli %rem3A_197, %mul3A_198 : i32
      %add3A_200 = arith.constant 2 : i32
      %add3A_201 = arith.addi %scan3A_192, %add3A_200 : i32
      %lt3A = arith.constant 196 : i32
      %lt3A_202 = arith.cmpi slt, %add3A_201, %lt3A : i32
      %convert_element_type3A_203 = arith.extui %lt3A_202 : i1 to i32
      %cond3A_204 = arith.constant 0 : i32
      %cond3A_205 = arith.cmpi ne, %convert_element_type3A_203, %cond3A_204 : i32
      scf.if %cond3A_205 {
        %add3A_261 = arith.constant 2 : i32
        %add3A_262 = arith.addi %scan3A_192, %add3A_261 : i32
        %rem3A_263 = arith.constant 3 : i32
        %rem3A_264 = arith.remsi %add3A_262, %rem3A_263 : i32
        %mul3A_265 = arith.constant 2 : i32
        %mul3A_266 = arith.muli %rem3A_264, %mul3A_265 : i32
        %mul3A_267 = arith.constant 2 : i32
        %mul3A_268 = arith.muli %add3A_262, %mul3A_267 : i32
        %add3A_269 = arith.addi %mul3A_29, %mul3A_268 : i32
        %rem3A_270 = arith.constant 3 : i32
        %rem3A_271 = arith.remsi %add3A_262, %rem3A_270 : i32
        %dma_start3A_272 = arith.constant 0 : i32
        %dma_start3A_273 = tpu.memref_slice %arg7[%mul3A_266, %dma_start3A_272] : memref<6x128xi32, #tpu.memory_space<vmem>> -> memref<2x128xi32, #tpu.memory_space<vmem>>
        %dma_start3A_274 = arith.constant 0 : i32
        %dma_start3A_275 = tpu.memref_slice %arg2[%add3A_269, %dma_start3A_274] : memref<6272x128xi32, #tpu.memory_space<hbm>> -> memref<2x128xi32, #tpu.memory_space<hbm>>
        %dma_start3A_276 = tpu.memref_slice %arg16[%rem3A_271] : memref<3x!tpu.dma_semaphore, #tpu.memory_space<semaphore_mem>> -> memref<1x!tpu.dma_semaphore, #tpu.memory_space<semaphore_mem>>
        %dma_start3A_277 = tpu.memref_squeeze %dma_start3A_276 : memref<1x!tpu.dma_semaphore, #tpu.memory_space<semaphore_mem>> -> memref<!tpu.dma_semaphore, #tpu.memory_space<semaphore_mem>>
        %dma_start3A_278 = arith.constant 0 : i32
        %dma_start3A_279 = tpu.memref_slice %arg7[%mul3A_266, %dma_start3A_278] : memref<6x128xi32, #tpu.memory_space<vmem>> -> memref<2x128xi32, #tpu.memory_space<vmem>>
        %dma_start3A_280 = arith.constant 0 : i32
        %dma_start3A_281 = tpu.memref_slice %arg2[%add3A_269, %dma_start3A_280] : memref<6272x128xi32, #tpu.memory_space<hbm>> -> memref<2x128xi32, #tpu.memory_space<hbm>>
        tpu.enqueue_dma source(%dma_start3A_281 : memref<2x128xi32, #tpu.memory_space<hbm>>) target(%dma_start3A_279 : memref<2x128xi32, #tpu.memory_space<vmem>>) target_semaphore(%dma_start3A_277 : memref<!tpu.dma_semaphore, #tpu.memory_space<semaphore_mem>>)
        %rem3A_282 = arith.constant 3 : i32
        %rem3A_283 = arith.remsi %add3A_262, %rem3A_282 : i32
        %dma_start3A_284 = arith.constant 0 : i32
        %dma_start3A_285 = tpu.memref_slice %arg9[%mul3A_266, %dma_start3A_284] : memref<6x128xi32, #tpu.memory_space<vmem>> -> memref<2x128xi32, #tpu.memory_space<vmem>>
        %dma_start3A_286 = arith.constant 0 : i32
        %dma_start3A_287 = tpu.memref_slice %arg3[%add3A_269, %dma_start3A_286] : memref<6272x128xi32, #tpu.memory_space<hbm>> -> memref<2x128xi32, #tpu.memory_space<hbm>>
        %dma_start3A_288 = tpu.memref_slice %arg16[%rem3A_283] : memref<3x!tpu.dma_semaphore, #tpu.memory_space<semaphore_mem>> -> memref<1x!tpu.dma_semaphore, #tpu.memory_space<semaphore_mem>>
        %dma_start3A_289 = tpu.memref_squeeze %dma_start3A_288 : memref<1x!tpu.dma_semaphore, #tpu.memory_space<semaphore_mem>> -> memref<!tpu.dma_semaphore, #tpu.memory_space<semaphore_mem>>
        %dma_start3A_290 = arith.constant 0 : i32
        %dma_start3A_291 = tpu.memref_slice %arg9[%mul3A_266, %dma_start3A_290] : memref<6x128xi32, #tpu.memory_space<vmem>> -> memref<2x128xi32, #tpu.memory_space<vmem>>
        %dma_start3A_292 = arith.constant 0 : i32
        %dma_start3A_293 = tpu.memref_slice %arg3[%add3A_269, %dma_start3A_292] : memref<6272x128xi32, #tpu.memory_space<hbm>> -> memref<2x128xi32, #tpu.memory_space<hbm>>
        tpu.enqueue_dma source(%dma_start3A_293 : memref<2x128xi32, #tpu.memory_space<hbm>>) target(%dma_start3A_291 : memref<2x128xi32, #tpu.memory_space<vmem>>) target_semaphore(%dma_start3A_289 : memref<!tpu.dma_semaphore, #tpu.memory_space<semaphore_mem>>)
      } else {
      }
      %add3A_206 = arith.constant 1 : i32
      %add3A_207 = arith.addi %scan3A_192, %add3A_206 : i32
      %lt3A_208 = arith.constant 196 : i32
      %lt3A_209 = arith.cmpi slt, %add3A_207, %lt3A_208 : i32
      %convert_element_type3A_210 = arith.extui %lt3A_209 : i1 to i32
      %cond3A_211 = arith.constant 0 : i32
      %cond3A_212 = arith.cmpi ne, %convert_element_type3A_210, %cond3A_211 : i32
      scf.if %cond3A_212 {
        %add3A_261 = arith.constant 1 : i32
        %add3A_262 = arith.addi %scan3A_192, %add3A_261 : i32
        %rem3A_263 = arith.constant 3 : i32
        %rem3A_264 = arith.remsi %add3A_262, %rem3A_263 : i32
        %mul3A_265 = arith.constant 2 : i32
        %mul3A_266 = arith.muli %rem3A_264, %mul3A_265 : i32
        %mul3A_267 = arith.constant 2 : i32
        %mul3A_268 = arith.muli %add3A_262, %mul3A_267 : i32
        %add3A_269 = arith.addi %mul3A_29, %mul3A_268 : i32
        %rem3A_270 = arith.constant 3 : i32
        %rem3A_271 = arith.remsi %add3A_262, %rem3A_270 : i32
        %dma_wait3A_272 = arith.constant 0 : i32
        %dma_wait3A_273 = tpu.memref_slice %arg7[%mul3A_266, %dma_wait3A_272] : memref<6x128xi32, #tpu.memory_space<vmem>> -> memref<2x128xi32, #tpu.memory_space<vmem>>
        %dma_wait3A_274 = arith.constant 0 : i32
        %dma_wait3A_275 = tpu.memref_slice %arg2[%add3A_269, %dma_wait3A_274] : memref<6272x128xi32, #tpu.memory_space<hbm>> -> memref<2x128xi32, #tpu.memory_space<hbm>>
        %dma_wait3A_276 = tpu.memref_slice %arg16[%rem3A_271] : memref<3x!tpu.dma_semaphore, #tpu.memory_space<semaphore_mem>> -> memref<1x!tpu.dma_semaphore, #tpu.memory_space<semaphore_mem>>
        %dma_wait3A_277 = tpu.memref_squeeze %dma_wait3A_276 : memref<1x!tpu.dma_semaphore, #tpu.memory_space<semaphore_mem>> -> memref<!tpu.dma_semaphore, #tpu.memory_space<semaphore_mem>>
        %dma_wait3A_278 = arith.constant 0 : i32
        %dma_wait3A_279 = tpu.memref_slice %arg7[%mul3A_266, %dma_wait3A_278] : memref<6x128xi32, #tpu.memory_space<vmem>> -> memref<2x128xi32, #tpu.memory_space<vmem>>
        %dma_wait3A_280 = arith.constant 0 : i32
        %dma_wait3A_281 = tpu.memref_slice %arg2[%add3A_269, %dma_wait3A_280] : memref<6272x128xi32, #tpu.memory_space<hbm>> -> memref<2x128xi32, #tpu.memory_space<hbm>>
        tpu.wait_dma2 semaphore(%dma_wait3A_277 : memref<!tpu.dma_semaphore, #tpu.memory_space<semaphore_mem>>) src(%dma_wait3A_281 : memref<2x128xi32, #tpu.memory_space<hbm>>) dst(%dma_wait3A_279 : memref<2x128xi32, #tpu.memory_space<vmem>>)
        %rem3A_282 = arith.constant 3 : i32
        %rem3A_283 = arith.remsi %add3A_262, %rem3A_282 : i32
        %dma_wait3A_284 = arith.constant 0 : i32
        %dma_wait3A_285 = tpu.memref_slice %arg9[%mul3A_266, %dma_wait3A_284] : memref<6x128xi32, #tpu.memory_space<vmem>> -> memref<2x128xi32, #tpu.memory_space<vmem>>
        %dma_wait3A_286 = arith.constant 0 : i32
        %dma_wait3A_287 = tpu.memref_slice %arg3[%add3A_269, %dma_wait3A_286] : memref<6272x128xi32, #tpu.memory_space<hbm>> -> memref<2x128xi32, #tpu.memory_space<hbm>>
        %dma_wait3A_288 = tpu.memref_slice %arg16[%rem3A_283] : memref<3x!tpu.dma_semaphore, #tpu.memory_space<semaphore_mem>> -> memref<1x!tpu.dma_semaphore, #tpu.memory_space<semaphore_mem>>
        %dma_wait3A_289 = tpu.memref_squeeze %dma_wait3A_288 : memref<1x!tpu.dma_semaphore, #tpu.memory_space<semaphore_mem>> -> memref<!tpu.dma_semaphore, #tpu.memory_space<semaphore_mem>>
        %dma_wait3A_290 = arith.constant 0 : i32
        %dma_wait3A_291 = tpu.memref_slice %arg9[%mul3A_266, %dma_wait3A_290] : memref<6x128xi32, #tpu.memory_space<vmem>> -> memref<2x128xi32, #tpu.memory_space<vmem>>
        %dma_wait3A_292 = arith.constant 0 : i32
        %dma_wait3A_293 = tpu.memref_slice %arg3[%add3A_269, %dma_wait3A_292] : memref<6272x128xi32, #tpu.memory_space<hbm>> -> memref<2x128xi32, #tpu.memory_space<hbm>>
        tpu.wait_dma2 semaphore(%dma_wait3A_289 : memref<!tpu.dma_semaphore, #tpu.memory_space<semaphore_mem>>) src(%dma_wait3A_293 : memref<2x128xi32, #tpu.memory_space<hbm>>) dst(%dma_wait3A_291 : memref<2x128xi32, #tpu.memory_space<vmem>>)
        %add3A_294 = arith.constant 1 : i32
        %add3A_295 = arith.addi %scan3A_192, %add3A_294 : i32
        %rem3A_296 = arith.constant 3 : i32
        %rem3A_297 = arith.remsi %add3A_295, %rem3A_296 : i32
        %mul3A_298 = arith.constant 2 : i32
        %mul3A_299 = arith.muli %rem3A_297, %mul3A_298 : i32
        %rem3A_300 = arith.constant 2 : i32
        %rem3A_301 = arith.remsi %add3A_295, %rem3A_300 : i32
        %mul3A_302 = arith.constant 2 : i32
        %mul3A_303 = arith.muli %rem3A_301, %mul3A_302 : i32
        %scan3A_304 = arith.constant 0 : i32
        %scan3A_305 = arith.constant 0 : i32
        %scan3A_306 = arith.constant 2 : i32
        %scan3A_307 = arith.addi %scan3A_305, %scan3A_306 : i32
        %scan3A_308 = arith.constant 1 : i32
        %scan3A_309 = scf.for %scan3A_349 = %scan3A_305 to %scan3A_307 step %scan3A_308 iter_args(%scan3A_350 = %scan3A_304) -> (i32)  : i32 {
          %scan3A_351 = arith.constant 0 : i32
          %scan3A_352 = arith.constant 0 : i32
          %scan3A_353 = arith.constant 8 : i32
          %scan3A_354 = arith.addi %scan3A_352, %scan3A_353 : i32
          %scan3A_355 = arith.constant 1 : i32
          %scan3A_356 = scf.for %scan3A_359 = %scan3A_352 to %scan3A_354 step %scan3A_355 iter_args(%scan3A_360 = %scan3A_351) -> (i32)  : i32 {
            %add3A_361 = arith.addi %mul3A_299, %scan3A_349 : i32
            %mul3A_362 = arith.constant 16 : i32
            %mul3A_363 = arith.muli %scan3A_359, %mul3A_362 : i32
            %get3A = arith.index_cast %add3A_361 : i32 to index
            %get3A_364 = arith.index_cast %mul3A_363 : i32 to index
            %get3A_365 = tpu.vector_load %arg7[%get3A, %get3A_364] {strides = array<i32>} : memref<6x128xi32, #tpu.memory_space<vmem>>, vector<1x16xi32>,
            %get3A_366 = vector.shape_cast %get3A_365 : vector<1x16xi32> to vector<16xi32>
            %add3A_367 = vector.broadcast %mul3A_31 : i32 to vector<16xi32>
            %add3A_368 = arith.addi %get3A_366, %add3A_367 : vector<16xi32>
            %add3A_369 = arith.addi %mul3A_303, %scan3A_349 : i32
            %mul3A_370 = arith.constant 16 : i32
            %mul3A_371 = arith.muli %scan3A_359, %mul3A_370 : i32
            %swap3A = arith.index_cast %add3A_369 : i32 to index
            %swap3A_372 = arith.index_cast %mul3A_371 : i32 to index
            %swap3A_373 = tpu.vector_load %arg8[%swap3A, %swap3A_372] {strides = array<i32>} : memref<4x128xi32, #tpu.memory_space<vmem>>, vector<1x16xi32>,
            %swap3A_374 = vector.shape_cast %swap3A_373 : vector<1x16xi32> to vector<16xi32>
            %swap3A_375 = vector.shape_cast %add3A_368 : vector<16xi32> to vector<1x16xi32>
            tpu.vector_store %arg8[%swap3A, %swap3A_372], %swap3A_375 {strides = array<i32>} : memref<4x128xi32, #tpu.memory_space<vmem>>, vector<1x16xi32>,
            %scan3A_376 = arith.constant 0 : i32
            scf.yield %scan3A_376 : i32
          }
          %scan3A_357 = arith.constant 8 : i32
          %scan3A_358 = arith.constant 0 : i32
          scf.yield %scan3A_358 : i32
        }
        %scan3A_310 = arith.constant 2 : i32
        %add3A_311 = arith.constant 1 : i32
        %add3A_312 = arith.addi %scan3A_192, %add3A_311 : i32
        %rem3A_313 = arith.constant 2 : i32
        %rem3A_314 = arith.remsi %add3A_312, %rem3A_313 : i32
        %mul3A_315 = arith.constant 2 : i32
        %mul3A_316 = arith.muli %rem3A_314, %mul3A_315 : i32
        %rem3A_317 = arith.constant 2 : i32
        %rem3A_318 = arith.remsi %add3A_312, %rem3A_317 : i32
        %add3A_319 = arith.constant 0 : i32
        %add3A_320 = arith.addi %mul3A_316, %add3A_319 : i32
        %dma_start3A_321 = arith.constant 0 : i32
        %dma_start3A_322 = arith.constant 0 : i32
        %dma_start3A_323 = arith.constant 0 : i32
        %dma_start3A_324 = tpu.memref_slice %arg10[%rem3A_318, %dma_start3A_321, %dma_start3A_322, %dma_start3A_323] : memref<2x2x128x32xf32, #tpu.memory_space<vmem>> -> memref<1x1x128x32xf32, #tpu.memory_space<vmem>>
        %dma_start3A_325 = tpu.memref_squeeze %dma_start3A_324 : memref<1x1x128x32xf32, #tpu.memory_space<vmem>> -> memref<128x32xf32, #tpu.memory_space<vmem>>
        %dma_start3A_326 = arith.constant 0 : i32
        %dma_start3A_327 = tpu.memref_slice %arg8[%add3A_320, %dma_start3A_326] : memref<4x128xi32, #tpu.memory_space<vmem>> -> memref<1x128xi32, #tpu.memory_space<vmem>>
        %dma_start3A_328 = tpu.memref_squeeze %dma_start3A_327 : memref<1x128xi32, #tpu.memory_space<vmem>> -> memref<128xi32, #tpu.memory_space<vmem>>
        %dma_start3A_329 = arith.constant 0 : i32
        %dma_start3A_330 = arith.constant 0 : i32
        %dma_start3A_331 = tpu.memref_slice %arg4[%dma_start3A_329, %dma_start3A_330] : memref<400000x32xf32, #tpu.memory_space<hbm>> -> memref<400000x32xf32, #tpu.memory_space<hbm>>
        %dma_start3A_332 = tpu.memref_slice %arg17[%rem3A_318] : memref<2x!tpu.dma_semaphore, #tpu.memory_space<semaphore_mem>> -> memref<1x!tpu.dma_semaphore, #tpu.memory_space<semaphore_mem>>
        %dma_start3A_333 = tpu.memref_squeeze %dma_start3A_332 : memref<1x!tpu.dma_semaphore, #tpu.memory_space<semaphore_mem>> -> memref<!tpu.dma_semaphore, #tpu.memory_space<semaphore_mem>>
        tpu.enqueue_indirect_dma source(%dma_start3A_331 : memref<400000x32xf32, #tpu.memory_space<hbm>>) target(%dma_start3A_325 : memref<128x32xf32, #tpu.memory_space<vmem>>) offsets(%dma_start3A_328 : memref<128xi32, #tpu.memory_space<vmem>>) semaphore(%dma_start3A_333 : memref<!tpu.dma_semaphore, #tpu.memory_space<semaphore_mem>>)
        %add3A_334 = arith.constant 1 : i32
        %add3A_335 = arith.addi %mul3A_316, %add3A_334 : i32
        %dma_start3A_336 = arith.constant 1 : i32
        %dma_start3A_337 = arith.constant 0 : i32
        %dma_start3A_338 = arith.constant 0 : i32
        %dma_start3A_339 = tpu.memref_slice %arg10[%rem3A_318, %dma_start3A_336, %dma_start3A_337, %dma_start3A_338] : memref<2x2x128x32xf32, #tpu.memory_space<vmem>> -> memref<1x1x128x32xf32, #tpu.memory_space<vmem>>
        %dma_start3A_340 = tpu.memref_squeeze %dma_start3A_339 : memref<1x1x128x32xf32, #tpu.memory_space<vmem>> -> memref<128x32xf32, #tpu.memory_space<vmem>>
        %dma_start3A_341 = arith.constant 0 : i32
        %dma_start3A_342 = tpu.memref_slice %arg8[%add3A_335, %dma_start3A_341] : memref<4x128xi32, #tpu.memory_space<vmem>> -> memref<1x128xi32, #tpu.memory_space<vmem>>
        %dma_start3A_343 = tpu.memref_squeeze %dma_start3A_342 : memref<1x128xi32, #tpu.memory_space<vmem>> -> memref<128xi32, #tpu.memory_space<vmem>>
        %dma_start3A_344 = arith.constant 0 : i32
        %dma_start3A_345 = arith.constant 0 : i32
        %dma_start3A_346 = tpu.memref_slice %arg4[%dma_start3A_344, %dma_start3A_345] : memref<400000x32xf32, #tpu.memory_space<hbm>> -> memref<400000x32xf32, #tpu.memory_space<hbm>>
        %dma_start3A_347 = tpu.memref_slice %arg17[%rem3A_318] : memref<2x!tpu.dma_semaphore, #tpu.memory_space<semaphore_mem>> -> memref<1x!tpu.dma_semaphore, #tpu.memory_space<semaphore_mem>>
        %dma_start3A_348 = tpu.memref_squeeze %dma_start3A_347 : memref<1x!tpu.dma_semaphore, #tpu.memory_space<semaphore_mem>> -> memref<!tpu.dma_semaphore, #tpu.memory_space<semaphore_mem>>
        tpu.enqueue_indirect_dma source(%dma_start3A_346 : memref<400000x32xf32, #tpu.memory_space<hbm>>) target(%dma_start3A_340 : memref<128x32xf32, #tpu.memory_space<vmem>>) offsets(%dma_start3A_343 : memref<128xi32, #tpu.memory_space<vmem>>) semaphore(%dma_start3A_348 : memref<!tpu.dma_semaphore, #tpu.memory_space<semaphore_mem>>)
      } else {
      }
      %mul3A_213 = arith.constant 2 : i32
      %mul3A_214 = arith.muli %rem3A_195, %mul3A_213 : i32
      %add3A_215 = arith.constant 0 : i32
      %add3A_216 = arith.addi %mul3A_214, %add3A_215 : i32
      %dma_wait3A_217 = arith.constant 0 : i32
      %dma_wait3A_218 = arith.constant 0 : i32
      %dma_wait3A_219 = arith.constant 0 : i32
      %dma_wait3A_220 = tpu.memref_slice %arg10[%rem3A_195, %dma_wait3A_217, %dma_wait3A_218, %dma_wait3A_219] : memref<2x2x128x32xf32, #tpu.memory_space<vmem>> -> memref<1x1x128x32xf32, #tpu.memory_space<vmem>>
      %dma_wait3A_221 = tpu.memref_squeeze %dma_wait3A_220 : memref<1x1x128x32xf32, #tpu.memory_space<vmem>> -> memref<128x32xf32, #tpu.memory_space<vmem>>
      %dma_wait3A_222 = arith.constant 0 : i32
      %dma_wait3A_223 = tpu.memref_slice %arg8[%add3A_216, %dma_wait3A_222] : memref<4x128xi32, #tpu.memory_space<vmem>> -> memref<1x128xi32, #tpu.memory_space<vmem>>
      %dma_wait3A_224 = tpu.memref_squeeze %dma_wait3A_223 : memref<1x128xi32, #tpu.memory_space<vmem>> -> memref<128xi32, #tpu.memory_space<vmem>>
      %dma_wait3A_225 = arith.constant 0 : i32
      %dma_wait3A_226 = arith.constant 0 : i32
      %dma_wait3A_227 = tpu.memref_slice %arg4[%dma_wait3A_225, %dma_wait3A_226] : memref<400000x32xf32, #tpu.memory_space<hbm>> -> memref<400000x32xf32, #tpu.memory_space<hbm>>
      %dma_wait3A_228 = tpu.memref_slice %arg17[%rem3A_195] : memref<2x!tpu.dma_semaphore, #tpu.memory_space<semaphore_mem>> -> memref<1x!tpu.dma_semaphore, #tpu.memory_space<semaphore_mem>>
      %dma_wait3A_229 = tpu.memref_squeeze %dma_wait3A_228 : memref<1x!tpu.dma_semaphore, #tpu.memory_space<semaphore_mem>> -> memref<!tpu.dma_semaphore, #tpu.memory_space<semaphore_mem>>
      tpu.wait_indirect_dma semaphore(%dma_wait3A_229 : memref<!tpu.dma_semaphore, #tpu.memory_space<semaphore_mem>>) src(%dma_wait3A_227 : memref<400000x32xf32, #tpu.memory_space<hbm>>) dst(%dma_wait3A_221 : memref<128x32xf32, #tpu.memory_space<vmem>>)
      %add3A_230 = arith.constant 0 : i32
      %add3A_231 = arith.addi %mul3A_199, %add3A_230 : i32
      %run_scoped3A = arith.constant 0 : i32
      "tpu.region"() ({
        %run_scoped3A_261 = tpu.sem_alloc : memref<!tpu.dma_semaphore, #tpu.memory_space<semaphore_mem>>
        %dma_start3A_262 = arith.constant 0 : i32
        %dma_start3A_263 = arith.constant 0 : i32
        %dma_start3A_264 = tpu.memref_slice %arg10[%rem3A_195, %run_scoped3A, %dma_start3A_262, %dma_start3A_263] : memref<2x2x128x32xf32, #tpu.memory_space<vmem>> -> memref<1x1x128x32xf32, #tpu.memory_space<vmem>>
        %dma_start3A_265 = tpu.memref_squeeze %dma_start3A_264 : memref<1x1x128x32xf32, #tpu.memory_space<vmem>> -> memref<128x32xf32, #tpu.memory_space<vmem>>
        %dma_start3A_266 = arith.constant 0 : i32
        %dma_start3A_267 = tpu.memref_slice %arg9[%add3A_231, %dma_start3A_266] : memref<6x128xi32, #tpu.memory_space<vmem>> -> memref<1x128xi32, #tpu.memory_space<vmem>>
        %dma_start3A_268 = tpu.memref_squeeze %dma_start3A_267 : memref<1x128xi32, #tpu.memory_space<vmem>> -> memref<128xi32, #tpu.memory_space<vmem>>
        %dma_start3A_269 = arith.constant 0 : i32
        %dma_start3A_270 = arith.constant 0 : i32
        %dma_start3A_271 = tpu.memref_slice %arg14[%dma_start3A_269, %dma_start3A_270] : memref<51200x32xf32, #tpu.memory_space<vmem_shared>> -> memref<51200x32xf32, #tpu.memory_space<vmem_shared>>
        tpu.enqueue_indirect_dma source(%dma_start3A_265 : memref<128x32xf32, #tpu.memory_space<vmem>>) target(%dma_start3A_271 : memref<51200x32xf32, #tpu.memory_space<vmem_shared>>) offsets(%dma_start3A_268 : memref<128xi32, #tpu.memory_space<vmem>>) semaphore(%run_scoped3A_261 : memref<!tpu.dma_semaphore, #tpu.memory_space<semaphore_mem>>) {add = true}
        %dma_wait3A_272 = arith.constant 0 : i32
        %dma_wait3A_273 = arith.constant 0 : i32
        %dma_wait3A_274 = tpu.memref_slice %arg10[%rem3A_195, %run_scoped3A, %dma_wait3A_272, %dma_wait3A_273] : memref<2x2x128x32xf32, #tpu.memory_space<vmem>> -> memref<1x1x128x32xf32, #tpu.memory_space<vmem>>
        %dma_wait3A_275 = tpu.memref_squeeze %dma_wait3A_274 : memref<1x1x128x32xf32, #tpu.memory_space<vmem>> -> memref<128x32xf32, #tpu.memory_space<vmem>>
        %dma_wait3A_276 = arith.constant 0 : i32
        %dma_wait3A_277 = tpu.memref_slice %arg9[%add3A_231, %dma_wait3A_276] : memref<6x128xi32, #tpu.memory_space<vmem>> -> memref<1x128xi32, #tpu.memory_space<vmem>>
        %dma_wait3A_278 = tpu.memref_squeeze %dma_wait3A_277 : memref<1x128xi32, #tpu.memory_space<vmem>> -> memref<128xi32, #tpu.memory_space<vmem>>
        %dma_wait3A_279 = arith.constant 0 : i32
        %dma_wait3A_280 = arith.constant 0 : i32
        %dma_wait3A_281 = tpu.memref_slice %arg14[%dma_wait3A_279, %dma_wait3A_280] : memref<51200x32xf32, #tpu.memory_space<vmem_shared>> -> memref<51200x32xf32, #tpu.memory_space<vmem_shared>>
        tpu.wait_indirect_dma semaphore(%run_scoped3A_261 : memref<!tpu.dma_semaphore, #tpu.memory_space<semaphore_mem>>) src(%dma_wait3A_275 : memref<128x32xf32, #tpu.memory_space<vmem>>) dst(%dma_wait3A_281 : memref<51200x32xf32, #tpu.memory_space<vmem_shared>>)
        tpu.yield
      }) : () -> ()
      %eq3A_232 = arith.constant 0 : i32
      %eq3A_233 = arith.cmpi eq, %arg0, %eq3A_232 : i32
      %convert_element_type3A_234 = arith.extui %eq3A_233 : i1 to i32
      %cond3A_235 = arith.constant 0 : i32
      %cond3A_236 = arith.cmpi ne, %convert_element_type3A_234, %cond3A_235 : i32
      scf.if %cond3A_236 {
        %add3A_261 = arith.constant 0 : i32
        %add3A_262 = arith.addi %mul3A_199, %add3A_261 : i32
        "tpu.region"() ({
          %run_scoped3A_263 = tpu.sem_alloc : memref<!tpu.dma_semaphore, #tpu.memory_space<semaphore_mem>>
          %dma_start3A_264 = arith.constant 0 : i32
          %dma_start3A_265 = tpu.memref_slice %arg9[%add3A_262, %dma_start3A_264] : memref<6x128xi32, #tpu.memory_space<vmem>> -> memref<1x128xi32, #tpu.memory_space<vmem>>
          %dma_start3A_266 = tpu.memref_squeeze %dma_start3A_265 : memref<1x128xi32, #tpu.memory_space<vmem>> -> memref<128xi32, #tpu.memory_space<vmem>>
          %dma_start3A_267 = arith.constant 0 : i32
          %dma_start3A_268 = tpu.memref_slice %arg15[%dma_start3A_267] : memref<51200xf32, #tpu.memory_space<vmem_shared>> -> memref<51200xf32, #tpu.memory_space<vmem_shared>>
          tpu.enqueue_indirect_dma source(%arg11 : memref<128xf32, #tpu.memory_space<vmem>>) target(%dma_start3A_268 : memref<51200xf32, #tpu.memory_space<vmem_shared>>) offsets(%dma_start3A_266 : memref<128xi32, #tpu.memory_space<vmem>>) semaphore(%run_scoped3A_263 : memref<!tpu.dma_semaphore, #tpu.memory_space<semaphore_mem>>) {add = true}
          %dma_wait3A_269 = arith.constant 0 : i32
          %dma_wait3A_270 = tpu.memref_slice %arg9[%add3A_262, %dma_wait3A_269] : memref<6x128xi32, #tpu.memory_space<vmem>> -> memref<1x128xi32, #tpu.memory_space<vmem>>
          %dma_wait3A_271 = tpu.memref_squeeze %dma_wait3A_270 : memref<1x128xi32, #tpu.memory_space<vmem>> -> memref<128xi32, #tpu.memory_space<vmem>>
          %dma_wait3A_272 = arith.constant 0 : i32
          %dma_wait3A_273 = tpu.memref_slice %arg15[%dma_wait3A_272] : memref<51200xf32, #tpu.memory_space<vmem_shared>> -> memref<51200xf32, #tpu.memory_space<vmem_shared>>
          tpu.wait_indirect_dma semaphore(%run_scoped3A_263 : memref<!tpu.dma_semaphore, #tpu.memory_space<semaphore_mem>>) src(%arg11 : memref<128xf32, #tpu.memory_space<vmem>>) dst(%dma_wait3A_273 : memref<51200xf32, #tpu.memory_space<vmem_shared>>)
          tpu.yield
        }) : () -> ()
      } else {
      }
      %add3A_237 = arith.constant 1 : i32
      %add3A_238 = arith.addi %mul3A_214, %add3A_237 : i32
      %dma_wait3A_239 = arith.constant 1 : i32
      %dma_wait3A_240 = arith.constant 0 : i32
      %dma_wait3A_241 = arith.constant 0 : i32
      %dma_wait3A_242 = tpu.memref_slice %arg10[%rem3A_195, %dma_wait3A_239, %dma_wait3A_240, %dma_wait3A_241] : memref<2x2x128x32xf32, #tpu.memory_space<vmem>> -> memref<1x1x128x32xf32, #tpu.memory_space<vmem>>
      %dma_wait3A_243 = tpu.memref_squeeze %dma_wait3A_242 : memref<1x1x128x32xf32, #tpu.memory_space<vmem>> -> memref<128x32xf32, #tpu.memory_space<vmem>>
      %dma_wait3A_244 = arith.constant 0 : i32
      %dma_wait3A_245 = tpu.memref_slice %arg8[%add3A_238, %dma_wait3A_244] : memref<4x128xi32, #tpu.memory_space<vmem>> -> memref<1x128xi32, #tpu.memory_space<vmem>>
      %dma_wait3A_246 = tpu.memref_squeeze %dma_wait3A_245 : memref<1x128xi32, #tpu.memory_space<vmem>> -> memref<128xi32, #tpu.memory_space<vmem>>
      %dma_wait3A_247 = arith.constant 0 : i32
      %dma_wait3A_248 = arith.constant 0 : i32
      %dma_wait3A_249 = tpu.memref_slice %arg4[%dma_wait3A_247, %dma_wait3A_248] : memref<400000x32xf32, #tpu.memory_space<hbm>> -> memref<400000x32xf32, #tpu.memory_space<hbm>>
      %dma_wait3A_250 = tpu.memref_slice %arg17[%rem3A_195] : memref<2x!tpu.dma_semaphore, #tpu.memory_space<semaphore_mem>> -> memref<1x!tpu.dma_semaphore, #tpu.memory_space<semaphore_mem>>
      %dma_wait3A_251 = tpu.memref_squeeze %dma_wait3A_250 : memref<1x!tpu.dma_semaphore, #tpu.memory_space<semaphore_mem>> -> memref<!tpu.dma_semaphore, #tpu.memory_space<semaphore_mem>>
      tpu.wait_indirect_dma semaphore(%dma_wait3A_251 : memref<!tpu.dma_semaphore, #tpu.memory_space<semaphore_mem>>) src(%dma_wait3A_249 : memref<400000x32xf32, #tpu.memory_space<hbm>>) dst(%dma_wait3A_243 : memref<128x32xf32, #tpu.memory_space<vmem>>)
      %add3A_252 = arith.constant 1 : i32
      %add3A_253 = arith.addi %mul3A_199, %add3A_252 : i32
      %run_scoped3A_254 = arith.constant 1 : i32
      "tpu.region"() ({
        %run_scoped3A_261 = tpu.sem_alloc : memref<!tpu.dma_semaphore, #tpu.memory_space<semaphore_mem>>
        %dma_start3A_262 = arith.constant 0 : i32
        %dma_start3A_263 = arith.constant 0 : i32
        %dma_start3A_264 = tpu.memref_slice %arg10[%rem3A_195, %run_scoped3A_254, %dma_start3A_262, %dma_start3A_263] : memref<2x2x128x32xf32, #tpu.memory_space<vmem>> -> memref<1x1x128x32xf32, #tpu.memory_space<vmem>>
        %dma_start3A_265 = tpu.memref_squeeze %dma_start3A_264 : memref<1x1x128x32xf32, #tpu.memory_space<vmem>> -> memref<128x32xf32, #tpu.memory_space<vmem>>
        %dma_start3A_266 = arith.constant 0 : i32
        %dma_start3A_267 = tpu.memref_slice %arg9[%add3A_253, %dma_start3A_266] : memref<6x128xi32, #tpu.memory_space<vmem>> -> memref<1x128xi32, #tpu.memory_space<vmem>>
        %dma_start3A_268 = tpu.memref_squeeze %dma_start3A_267 : memref<1x128xi32, #tpu.memory_space<vmem>> -> memref<128xi32, #tpu.memory_space<vmem>>
        %dma_start3A_269 = arith.constant 0 : i32
        %dma_start3A_270 = arith.constant 0 : i32
        %dma_start3A_271 = tpu.memref_slice %arg14[%dma_start3A_269, %dma_start3A_270] : memref<51200x32xf32, #tpu.memory_space<vmem_shared>> -> memref<51200x32xf32, #tpu.memory_space<vmem_shared>>
        tpu.enqueue_indirect_dma source(%dma_start3A_265 : memref<128x32xf32, #tpu.memory_space<vmem>>) target(%dma_start3A_271 : memref<51200x32xf32, #tpu.memory_space<vmem_shared>>) offsets(%dma_start3A_268 : memref<128xi32, #tpu.memory_space<vmem>>) semaphore(%run_scoped3A_261 : memref<!tpu.dma_semaphore, #tpu.memory_space<semaphore_mem>>) {add = true}
        %dma_wait3A_272 = arith.constant 0 : i32
        %dma_wait3A_273 = arith.constant 0 : i32
        %dma_wait3A_274 = tpu.memref_slice %arg10[%rem3A_195, %run_scoped3A_254, %dma_wait3A_272, %dma_wait3A_273] : memref<2x2x128x32xf32, #tpu.memory_space<vmem>> -> memref<1x1x128x32xf32, #tpu.memory_space<vmem>>
        %dma_wait3A_275 = tpu.memref_squeeze %dma_wait3A_274 : memref<1x1x128x32xf32, #tpu.memory_space<vmem>> -> memref<128x32xf32, #tpu.memory_space<vmem>>
        %dma_wait3A_276 = arith.constant 0 : i32
        %dma_wait3A_277 = tpu.memref_slice %arg9[%add3A_253, %dma_wait3A_276] : memref<6x128xi32, #tpu.memory_space<vmem>> -> memref<1x128xi32, #tpu.memory_space<vmem>>
        %dma_wait3A_278 = tpu.memref_squeeze %dma_wait3A_277 : memref<1x128xi32, #tpu.memory_space<vmem>> -> memref<128xi32, #tpu.memory_space<vmem>>
        %dma_wait3A_279 = arith.constant 0 : i32
        %dma_wait3A_280 = arith.constant 0 : i32
        %dma_wait3A_281 = tpu.memref_slice %arg14[%dma_wait3A_279, %dma_wait3A_280] : memref<51200x32xf32, #tpu.memory_space<vmem_shared>> -> memref<51200x32xf32, #tpu.memory_space<vmem_shared>>
        tpu.wait_indirect_dma semaphore(%run_scoped3A_261 : memref<!tpu.dma_semaphore, #tpu.memory_space<semaphore_mem>>) src(%dma_wait3A_275 : memref<128x32xf32, #tpu.memory_space<vmem>>) dst(%dma_wait3A_281 : memref<51200x32xf32, #tpu.memory_space<vmem_shared>>)
        tpu.yield
      }) : () -> ()
      %eq3A_255 = arith.constant 0 : i32
      %eq3A_256 = arith.cmpi eq, %arg0, %eq3A_255 : i32
      %convert_element_type3A_257 = arith.extui %eq3A_256 : i1 to i32
      %cond3A_258 = arith.constant 0 : i32
      %cond3A_259 = arith.cmpi ne, %convert_element_type3A_257, %cond3A_258 : i32
      scf.if %cond3A_259 {
        %add3A_261 = arith.constant 1 : i32
        %add3A_262 = arith.addi %mul3A_199, %add3A_261 : i32
        "tpu.region"() ({
          %run_scoped3A_263 = tpu.sem_alloc : memref<!tpu.dma_semaphore, #tpu.memory_space<semaphore_mem>>
          %dma_start3A_264 = arith.constant 0 : i32
          %dma_start3A_265 = tpu.memref_slice %arg9[%add3A_262, %dma_start3A_264] : memref<6x128xi32, #tpu.memory_space<vmem>> -> memref<1x128xi32, #tpu.memory_space<vmem>>
          %dma_start3A_266 = tpu.memref_squeeze %dma_start3A_265 : memref<1x128xi32, #tpu.memory_space<vmem>> -> memref<128xi32, #tpu.memory_space<vmem>>
          %dma_start3A_267 = arith.constant 0 : i32
          %dma_start3A_268 = tpu.memref_slice %arg15[%dma_start3A_267] : memref<51200xf32, #tpu.memory_space<vmem_shared>> -> memref<51200xf32, #tpu.memory_space<vmem_shared>>
          tpu.enqueue_indirect_dma source(%arg11 : memref<128xf32, #tpu.memory_space<vmem>>) target(%dma_start3A_268 : memref<51200xf32, #tpu.memory_space<vmem_shared>>) offsets(%dma_start3A_266 : memref<128xi32, #tpu.memory_space<vmem>>) semaphore(%run_scoped3A_263 : memref<!tpu.dma_semaphore, #tpu.memory_space<semaphore_mem>>) {add = true}
          %dma_wait3A_269 = arith.constant 0 : i32
          %dma_wait3A_270 = tpu.memref_slice %arg9[%add3A_262, %dma_wait3A_269] : memref<6x128xi32, #tpu.memory_space<vmem>> -> memref<1x128xi32, #tpu.memory_space<vmem>>
          %dma_wait3A_271 = tpu.memref_squeeze %dma_wait3A_270 : memref<1x128xi32, #tpu.memory_space<vmem>> -> memref<128xi32, #tpu.memory_space<vmem>>
          %dma_wait3A_272 = arith.constant 0 : i32
          %dma_wait3A_273 = tpu.memref_slice %arg15[%dma_wait3A_272] : memref<51200xf32, #tpu.memory_space<vmem_shared>> -> memref<51200xf32, #tpu.memory_space<vmem_shared>>
          tpu.wait_indirect_dma semaphore(%run_scoped3A_263 : memref<!tpu.dma_semaphore, #tpu.memory_space<semaphore_mem>>) src(%arg11 : memref<128xf32, #tpu.memory_space<vmem>>) dst(%dma_wait3A_273 : memref<51200xf32, #tpu.memory_space<vmem_shared>>)
          tpu.yield
        }) : () -> ()
      } else {
      }
      %scan3A_260 = arith.constant 0 : i32
      scf.yield %scan3A_260 : i32
    }
    %scan3A_188 = arith.constant 196 : i32
    %barrier3A_189 = arith.constant 0 : index
    tpu.barrier barrier_id(%barrier3A_189)
    "tpu.region"() ({
      %run_scoped3A = tpu.sem_alloc : memref<!tpu.dma_semaphore, #tpu.memory_space<semaphore_mem>>
      %dma_start3A_192 = arith.constant 0 : i32
      %dma_start3A_193 = tpu.memref_slice %arg5[%arg0, %mul3A_20, %dma_start3A_192] : memref<2x51200x32xf32, #tpu.memory_space<hbm>> -> memref<1x3200x32xf32, #tpu.memory_space<hbm>>
      %dma_start3A_194 = tpu.memref_squeeze %dma_start3A_193 : memref<1x3200x32xf32, #tpu.memory_space<hbm>> -> memref<3200x32xf32, #tpu.memory_space<hbm>>
      %dma_start3A_195 = arith.constant 0 : i32
      %dma_start3A_196 = tpu.memref_slice %arg14[%mul3A_20, %dma_start3A_195] : memref<51200x32xf32, #tpu.memory_space<vmem_shared>> -> memref<3200x32xf32, #tpu.memory_space<vmem_shared>>
      tpu.enqueue_dma source(%dma_start3A_196 : memref<3200x32xf32, #tpu.memory_space<vmem_shared>>) target(%dma_start3A_194 : memref<3200x32xf32, #tpu.memory_space<hbm>>) target_semaphore(%run_scoped3A : memref<!tpu.dma_semaphore, #tpu.memory_space<semaphore_mem>>)
      %dma_wait3A_197 = arith.constant 0 : i32
      %dma_wait3A_198 = tpu.memref_slice %arg5[%arg0, %mul3A_20, %dma_wait3A_197] : memref<2x51200x32xf32, #tpu.memory_space<hbm>> -> memref<1x3200x32xf32, #tpu.memory_space<hbm>>
      %dma_wait3A_199 = tpu.memref_squeeze %dma_wait3A_198 : memref<1x3200x32xf32, #tpu.memory_space<hbm>> -> memref<3200x32xf32, #tpu.memory_space<hbm>>
      %dma_wait3A_200 = arith.constant 0 : i32
      %dma_wait3A_201 = tpu.memref_slice %arg14[%mul3A_20, %dma_wait3A_200] : memref<51200x32xf32, #tpu.memory_space<vmem_shared>> -> memref<3200x32xf32, #tpu.memory_space<vmem_shared>>
      tpu.wait_dma2 semaphore(%run_scoped3A : memref<!tpu.dma_semaphore, #tpu.memory_space<semaphore_mem>>) src(%dma_wait3A_201 : memref<3200x32xf32, #tpu.memory_space<vmem_shared>>) dst(%dma_wait3A_199 : memref<3200x32xf32, #tpu.memory_space<hbm>>)
      tpu.yield
    }) : () -> ()
    %eq3A = arith.constant 0 : i32
    %eq3A_190 = arith.cmpi eq, %arg0, %eq3A : i32
    %convert_element_type3A = arith.extui %eq3A_190 : i1 to i32
    %cond3A = arith.constant 0 : i32
    %cond3A_191 = arith.cmpi ne, %convert_element_type3A, %cond3A : i32
    scf.if %cond3A_191 {
      "tpu.region"() ({
        %run_scoped3A = tpu.sem_alloc : memref<!tpu.dma_semaphore, #tpu.memory_space<semaphore_mem>>
        %dma_start3A_192 = tpu.memref_slice %arg6[%mul3A_20] : memref<51200xf32, #tpu.memory_space<hbm>> -> memref<3200xf32, #tpu.memory_space<hbm>>
        %dma_start3A_193 = tpu.memref_slice %arg15[%mul3A_20] : memref<51200xf32, #tpu.memory_space<vmem_shared>> -> memref<3200xf32, #tpu.memory_space<vmem_shared>>
        tpu.enqueue_dma source(%dma_start3A_193 : memref<3200xf32, #tpu.memory_space<vmem_shared>>) target(%dma_start3A_192 : memref<3200xf32, #tpu.memory_space<hbm>>) target_semaphore(%run_scoped3A : memref<!tpu.dma_semaphore, #tpu.memory_space<semaphore_mem>>)
        %dma_wait3A_194 = tpu.memref_slice %arg6[%mul3A_20] : memref<51200xf32, #tpu.memory_space<hbm>> -> memref<3200xf32, #tpu.memory_space<hbm>>
        %dma_wait3A_195 = tpu.memref_slice %arg15[%mul3A_20] : memref<51200xf32, #tpu.memory_space<vmem_shared>> -> memref<3200xf32, #tpu.memory_space<vmem_shared>>
        tpu.wait_dma2 semaphore(%run_scoped3A : memref<!tpu.dma_semaphore, #tpu.memory_space<semaphore_mem>>) src(%dma_wait3A_195 : memref<3200xf32, #tpu.memory_space<vmem_shared>>) dst(%dma_wait3A_194 : memref<3200xf32, #tpu.memory_space<hbm>>)
        tpu.yield
      }) : () -> ()
    } else {
    }
    return
  }
}

#map = affine_map<(d0, d1) -> (0, 0)>
#map1 = affine_map<(d0, d1) -> (0, 0, 0)>
module attributes {stable_mosaic.version = 14 : i64} {
  func.func @body(%arg0: i32, %arg1: i32, %arg2: memref<6272x128xi32, #tpu.memory_space<hbm>>, %arg3: memref<6272x128xi32, #tpu.memory_space<hbm>>, %arg4: memref<400000x32xf32, #tpu.memory_space<hbm>>, %arg5: memref<2x51200x32xf32, #tpu.memory_space<hbm>>, %arg6: memref<6x128xi32, #tpu.memory_space<vmem>>, %arg7: memref<4x128xi32, #tpu.memory_space<vmem>>, %arg8: memref<6x128xi32, #tpu.memory_space<vmem>>, %arg9: memref<2x2x128x32xf32, #tpu.memory_space<vmem>>, %arg10: memref<64x32xf32, #tpu.memory_space<vmem>>, %arg11: memref<51200x32xf32, #tpu.memory_space<vmem_shared>>, %arg12: memref<3x!tpu.dma_semaphore, #tpu.memory_space<semaphore_mem>>, %arg13: memref<2x!tpu.dma_semaphore, #tpu.memory_space<semaphore_mem>>) attributes {dimension_semantics = [#tpu.dimension_semantics<core_parallel>, #tpu.dimension_semantics<subcore_parallel>], iteration_bounds = array<i64: 2, 16>, scalar_prefetch = 0 : i64, scratch_operands = 8 : i64, tpu.core_type = #tpu.core_type<sc_vector_subcore>, window_params = [{transform_indices = #map}, {transform_indices = #map}, {transform_indices = #map}, {transform_indices = #map1}]} {
    %scan3A = arith.constant 0 : i32
    %scan3A_0 = arith.constant 0 : i32
    %scan3A_1 = arith.constant 64 : i32
    %scan3A_2 = arith.addi %scan3A_0, %scan3A_1 : i32
    %scan3A_3 = arith.constant 1 : i32
    %scan3A_4 = scf.for %scan3A_176 = %scan3A_0 to %scan3A_2 step %scan3A_3 iter_args(%scan3A_177 = %scan3A) -> (i32)  : i32 {
      %broadcast_in_dim3A = arith.constant 0.000000e+00 : f32
      %broadcast_in_dim3A_178 = vector.broadcast %broadcast_in_dim3A : f32 to vector<16xf32>
      %swap3A = arith.index_cast %scan3A_176 : i32 to index
      %swap3A_179 = arith.constant 0 : index
      %swap3A_180 = tpu.vector_load %arg10[%swap3A, %swap3A_179] {strides = array<i32>} : memref<64x32xf32, #tpu.memory_space<vmem>>, vector<1x16xf32>,
      %swap3A_181 = vector.shape_cast %swap3A_180 : vector<1x16xf32> to vector<16xf32>
      %swap3A_182 = vector.shape_cast %broadcast_in_dim3A_178 : vector<16xf32> to vector<1x16xf32>
      tpu.vector_store %arg10[%swap3A, %swap3A_179], %swap3A_182 {strides = array<i32>} : memref<64x32xf32, #tpu.memory_space<vmem>>, vector<1x16xf32>,
      %broadcast_in_dim3A_183 = arith.constant 0.000000e+00 : f32
      %broadcast_in_dim3A_184 = vector.broadcast %broadcast_in_dim3A_183 : f32 to vector<16xf32>
      %swap3A_185 = arith.index_cast %scan3A_176 : i32 to index
      %swap3A_186 = arith.constant 16 : index
      %swap3A_187 = tpu.vector_load %arg10[%swap3A_185, %swap3A_186] {strides = array<i32>} : memref<64x32xf32, #tpu.memory_space<vmem>>, vector<1x16xf32>,
      %swap3A_188 = vector.shape_cast %swap3A_187 : vector<1x16xf32> to vector<16xf32>
      %swap3A_189 = vector.shape_cast %broadcast_in_dim3A_184 : vector<16xf32> to vector<1x16xf32>
      tpu.vector_store %arg10[%swap3A_185, %swap3A_186], %swap3A_189 {strides = array<i32>} : memref<64x32xf32, #tpu.memory_space<vmem>>, vector<1x16xf32>,
      %scan3A_190 = arith.constant 0 : i32
      scf.yield %scan3A_190 : i32
    }
    %scan3A_5 = arith.constant 64 : i32
    %mul3A = arith.constant 3200 : i32
    %mul3A_6 = arith.muli %arg1, %mul3A : i32
    %scan3A_7 = arith.constant 0 : i32
    %scan3A_8 = arith.constant 0 : i32
    %scan3A_9 = arith.constant 50 : i32
    %scan3A_10 = arith.addi %scan3A_8, %scan3A_9 : i32
    %scan3A_11 = arith.constant 1 : i32
    %scan3A_12 = scf.for %scan3A_176 = %scan3A_8 to %scan3A_10 step %scan3A_11 iter_args(%scan3A_177 = %scan3A_7) -> (i32)  : i32 {
      %mul3A_178 = arith.constant 64 : i32
      %mul3A_179 = arith.muli %scan3A_176, %mul3A_178 : i32
      %add3A_180 = arith.addi %mul3A_6, %mul3A_179 : i32
      "tpu.region"() ({
        %run_scoped3A = tpu.sem_alloc : memref<!tpu.dma_semaphore, #tpu.memory_space<semaphore_mem>>
        %dma_start3A_182 = arith.constant 0 : i32
        %dma_start3A_183 = tpu.memref_slice %arg11[%add3A_180, %dma_start3A_182] : memref<51200x32xf32, #tpu.memory_space<vmem_shared>> -> memref<64x32xf32, #tpu.memory_space<vmem_shared>>
        %dma_start3A_184 = arith.constant 0 : i32
        %dma_start3A_185 = tpu.memref_slice %arg11[%add3A_180, %dma_start3A_184] : memref<51200x32xf32, #tpu.memory_space<vmem_shared>> -> memref<64x32xf32, #tpu.memory_space<vmem_shared>>
        tpu.enqueue_dma source(%arg10 : memref<64x32xf32, #tpu.memory_space<vmem>>) target(%dma_start3A_185 : memref<64x32xf32, #tpu.memory_space<vmem_shared>>) target_semaphore(%run_scoped3A : memref<!tpu.dma_semaphore, #tpu.memory_space<semaphore_mem>>)
        %dma_wait3A_186 = arith.constant 0 : i32
        %dma_wait3A_187 = tpu.memref_slice %arg11[%add3A_180, %dma_wait3A_186] : memref<51200x32xf32, #tpu.memory_space<vmem_shared>> -> memref<64x32xf32, #tpu.memory_space<vmem_shared>>
        %dma_wait3A_188 = arith.constant 0 : i32
        %dma_wait3A_189 = tpu.memref_slice %arg11[%add3A_180, %dma_wait3A_188] : memref<51200x32xf32, #tpu.memory_space<vmem_shared>> -> memref<64x32xf32, #tpu.memory_space<vmem_shared>>
        tpu.wait_dma2 semaphore(%run_scoped3A : memref<!tpu.dma_semaphore, #tpu.memory_space<semaphore_mem>>) src(%arg10 : memref<64x32xf32, #tpu.memory_space<vmem>>) dst(%dma_wait3A_189 : memref<64x32xf32, #tpu.memory_space<vmem_shared>>)
        tpu.yield
      }) : () -> ()
      %scan3A_181 = arith.constant 0 : i32
      scf.yield %scan3A_181 : i32
    }
    %scan3A_13 = arith.constant 50 : i32
    %barrier3A = arith.constant 0 : index
    tpu.barrier barrier_id(%barrier3A)
    %mul3A_14 = arith.constant 392 : i32
    %mul3A_15 = arith.muli %arg1, %mul3A_14 : i32
    %mul3A_16 = arith.constant 200000 : i32
    %mul3A_17 = arith.muli %arg0, %mul3A_16 : i32
    %rem3A = arith.constant 0 : i32
    %rem3A_18 = arith.constant 3 : i32
    %rem3A_19 = arith.remsi %rem3A, %rem3A_18 : i32
    %mul3A_20 = arith.constant 2 : i32
    %mul3A_21 = arith.muli %rem3A_19, %mul3A_20 : i32
    %add3A = arith.constant 0 : i32
    %add3A_22 = arith.addi %mul3A_15, %add3A : i32
    %rem3A_23 = arith.constant 0 : i32
    %rem3A_24 = arith.constant 3 : i32
    %rem3A_25 = arith.remsi %rem3A_23, %rem3A_24 : i32
    %dma_start3A = arith.constant 0 : i32
    %dma_start3A_26 = tpu.memref_slice %arg6[%mul3A_21, %dma_start3A] : memref<6x128xi32, #tpu.memory_space<vmem>> -> memref<2x128xi32, #tpu.memory_space<vmem>>
    %dma_start3A_27 = arith.constant 0 : i32
    %dma_start3A_28 = tpu.memref_slice %arg2[%add3A_22, %dma_start3A_27] : memref<6272x128xi32, #tpu.memory_space<hbm>> -> memref<2x128xi32, #tpu.memory_space<hbm>>
    %dma_start3A_29 = tpu.memref_slice %arg12[%rem3A_25] : memref<3x!tpu.dma_semaphore, #tpu.memory_space<semaphore_mem>> -> memref<1x!tpu.dma_semaphore, #tpu.memory_space<semaphore_mem>>
    %dma_start3A_30 = tpu.memref_squeeze %dma_start3A_29 : memref<1x!tpu.dma_semaphore, #tpu.memory_space<semaphore_mem>> -> memref<!tpu.dma_semaphore, #tpu.memory_space<semaphore_mem>>
    %dma_start3A_31 = arith.constant 0 : i32
    %dma_start3A_32 = tpu.memref_slice %arg6[%mul3A_21, %dma_start3A_31] : memref<6x128xi32, #tpu.memory_space<vmem>> -> memref<2x128xi32, #tpu.memory_space<vmem>>
    %dma_start3A_33 = arith.constant 0 : i32
    %dma_start3A_34 = tpu.memref_slice %arg2[%add3A_22, %dma_start3A_33] : memref<6272x128xi32, #tpu.memory_space<hbm>> -> memref<2x128xi32, #tpu.memory_space<hbm>>
    tpu.enqueue_dma source(%dma_start3A_34 : memref<2x128xi32, #tpu.memory_space<hbm>>) target(%dma_start3A_32 : memref<2x128xi32, #tpu.memory_space<vmem>>) target_semaphore(%dma_start3A_30 : memref<!tpu.dma_semaphore, #tpu.memory_space<semaphore_mem>>)
    %rem3A_35 = arith.constant 0 : i32
    %rem3A_36 = arith.constant 3 : i32
    %rem3A_37 = arith.remsi %rem3A_35, %rem3A_36 : i32
    %dma_start3A_38 = arith.constant 0 : i32
    %dma_start3A_39 = tpu.memref_slice %arg8[%mul3A_21, %dma_start3A_38] : memref<6x128xi32, #tpu.memory_space<vmem>> -> memref<2x128xi32, #tpu.memory_space<vmem>>
    %dma_start3A_40 = arith.constant 0 : i32
    %dma_start3A_41 = tpu.memref_slice %arg3[%add3A_22, %dma_start3A_40] : memref<6272x128xi32, #tpu.memory_space<hbm>> -> memref<2x128xi32, #tpu.memory_space<hbm>>
    %dma_start3A_42 = tpu.memref_slice %arg12[%rem3A_37] : memref<3x!tpu.dma_semaphore, #tpu.memory_space<semaphore_mem>> -> memref<1x!tpu.dma_semaphore, #tpu.memory_space<semaphore_mem>>
    %dma_start3A_43 = tpu.memref_squeeze %dma_start3A_42 : memref<1x!tpu.dma_semaphore, #tpu.memory_space<semaphore_mem>> -> memref<!tpu.dma_semaphore, #tpu.memory_space<semaphore_mem>>
    %dma_start3A_44 = arith.constant 0 : i32
    %dma_start3A_45 = tpu.memref_slice %arg8[%mul3A_21, %dma_start3A_44] : memref<6x128xi32, #tpu.memory_space<vmem>> -> memref<2x128xi32, #tpu.memory_space<vmem>>
    %dma_start3A_46 = arith.constant 0 : i32
    %dma_start3A_47 = tpu.memref_slice %arg3[%add3A_22, %dma_start3A_46] : memref<6272x128xi32, #tpu.memory_space<hbm>> -> memref<2x128xi32, #tpu.memory_space<hbm>>
    tpu.enqueue_dma source(%dma_start3A_47 : memref<2x128xi32, #tpu.memory_space<hbm>>) target(%dma_start3A_45 : memref<2x128xi32, #tpu.memory_space<vmem>>) target_semaphore(%dma_start3A_43 : memref<!tpu.dma_semaphore, #tpu.memory_space<semaphore_mem>>)
    %rem3A_48 = arith.constant 1 : i32
    %rem3A_49 = arith.constant 3 : i32
    %rem3A_50 = arith.remsi %rem3A_48, %rem3A_49 : i32
    %mul3A_51 = arith.constant 2 : i32
    %mul3A_52 = arith.muli %rem3A_50, %mul3A_51 : i32
    %add3A_53 = arith.constant 2 : i32
    %add3A_54 = arith.addi %mul3A_15, %add3A_53 : i32
    %rem3A_55 = arith.constant 1 : i32
    %rem3A_56 = arith.constant 3 : i32
    %rem3A_57 = arith.remsi %rem3A_55, %rem3A_56 : i32
    %dma_start3A_58 = arith.constant 0 : i32
    %dma_start3A_59 = tpu.memref_slice %arg6[%mul3A_52, %dma_start3A_58] : memref<6x128xi32, #tpu.memory_space<vmem>> -> memref<2x128xi32, #tpu.memory_space<vmem>>
    %dma_start3A_60 = arith.constant 0 : i32
    %dma_start3A_61 = tpu.memref_slice %arg2[%add3A_54, %dma_start3A_60] : memref<6272x128xi32, #tpu.memory_space<hbm>> -> memref<2x128xi32, #tpu.memory_space<hbm>>
    %dma_start3A_62 = tpu.memref_slice %arg12[%rem3A_57] : memref<3x!tpu.dma_semaphore, #tpu.memory_space<semaphore_mem>> -> memref<1x!tpu.dma_semaphore, #tpu.memory_space<semaphore_mem>>
    %dma_start3A_63 = tpu.memref_squeeze %dma_start3A_62 : memref<1x!tpu.dma_semaphore, #tpu.memory_space<semaphore_mem>> -> memref<!tpu.dma_semaphore, #tpu.memory_space<semaphore_mem>>
    %dma_start3A_64 = arith.constant 0 : i32
    %dma_start3A_65 = tpu.memref_slice %arg6[%mul3A_52, %dma_start3A_64] : memref<6x128xi32, #tpu.memory_space<vmem>> -> memref<2x128xi32, #tpu.memory_space<vmem>>
    %dma_start3A_66 = arith.constant 0 : i32
    %dma_start3A_67 = tpu.memref_slice %arg2[%add3A_54, %dma_start3A_66] : memref<6272x128xi32, #tpu.memory_space<hbm>> -> memref<2x128xi32, #tpu.memory_space<hbm>>
    tpu.enqueue_dma source(%dma_start3A_67 : memref<2x128xi32, #tpu.memory_space<hbm>>) target(%dma_start3A_65 : memref<2x128xi32, #tpu.memory_space<vmem>>) target_semaphore(%dma_start3A_63 : memref<!tpu.dma_semaphore, #tpu.memory_space<semaphore_mem>>)
    %rem3A_68 = arith.constant 1 : i32
    %rem3A_69 = arith.constant 3 : i32
    %rem3A_70 = arith.remsi %rem3A_68, %rem3A_69 : i32
    %dma_start3A_71 = arith.constant 0 : i32
    %dma_start3A_72 = tpu.memref_slice %arg8[%mul3A_52, %dma_start3A_71] : memref<6x128xi32, #tpu.memory_space<vmem>> -> memref<2x128xi32, #tpu.memory_space<vmem>>
    %dma_start3A_73 = arith.constant 0 : i32
    %dma_start3A_74 = tpu.memref_slice %arg3[%add3A_54, %dma_start3A_73] : memref<6272x128xi32, #tpu.memory_space<hbm>> -> memref<2x128xi32, #tpu.memory_space<hbm>>
    %dma_start3A_75 = tpu.memref_slice %arg12[%rem3A_70] : memref<3x!tpu.dma_semaphore, #tpu.memory_space<semaphore_mem>> -> memref<1x!tpu.dma_semaphore, #tpu.memory_space<semaphore_mem>>
    %dma_start3A_76 = tpu.memref_squeeze %dma_start3A_75 : memref<1x!tpu.dma_semaphore, #tpu.memory_space<semaphore_mem>> -> memref<!tpu.dma_semaphore, #tpu.memory_space<semaphore_mem>>
    %dma_start3A_77 = arith.constant 0 : i32
    %dma_start3A_78 = tpu.memref_slice %arg8[%mul3A_52, %dma_start3A_77] : memref<6x128xi32, #tpu.memory_space<vmem>> -> memref<2x128xi32, #tpu.memory_space<vmem>>
    %dma_start3A_79 = arith.constant 0 : i32
    %dma_start3A_80 = tpu.memref_slice %arg3[%add3A_54, %dma_start3A_79] : memref<6272x128xi32, #tpu.memory_space<hbm>> -> memref<2x128xi32, #tpu.memory_space<hbm>>
    tpu.enqueue_dma source(%dma_start3A_80 : memref<2x128xi32, #tpu.memory_space<hbm>>) target(%dma_start3A_78 : memref<2x128xi32, #tpu.memory_space<vmem>>) target_semaphore(%dma_start3A_76 : memref<!tpu.dma_semaphore, #tpu.memory_space<semaphore_mem>>)
    %rem3A_81 = arith.constant 0 : i32
    %rem3A_82 = arith.constant 3 : i32
    %rem3A_83 = arith.remsi %rem3A_81, %rem3A_82 : i32
    %mul3A_84 = arith.constant 2 : i32
    %mul3A_85 = arith.muli %rem3A_83, %mul3A_84 : i32
    %add3A_86 = arith.constant 0 : i32
    %add3A_87 = arith.addi %mul3A_15, %add3A_86 : i32
    %rem3A_88 = arith.constant 0 : i32
    %rem3A_89 = arith.constant 3 : i32
    %rem3A_90 = arith.remsi %rem3A_88, %rem3A_89 : i32
    %dma_wait3A = arith.constant 0 : i32
    %dma_wait3A_91 = tpu.memref_slice %arg6[%mul3A_85, %dma_wait3A] : memref<6x128xi32, #tpu.memory_space<vmem>> -> memref<2x128xi32, #tpu.memory_space<vmem>>
    %dma_wait3A_92 = arith.constant 0 : i32
    %dma_wait3A_93 = tpu.memref_slice %arg2[%add3A_87, %dma_wait3A_92] : memref<6272x128xi32, #tpu.memory_space<hbm>> -> memref<2x128xi32, #tpu.memory_space<hbm>>
    %dma_wait3A_94 = tpu.memref_slice %arg12[%rem3A_90] : memref<3x!tpu.dma_semaphore, #tpu.memory_space<semaphore_mem>> -> memref<1x!tpu.dma_semaphore, #tpu.memory_space<semaphore_mem>>
    %dma_wait3A_95 = tpu.memref_squeeze %dma_wait3A_94 : memref<1x!tpu.dma_semaphore, #tpu.memory_space<semaphore_mem>> -> memref<!tpu.dma_semaphore, #tpu.memory_space<semaphore_mem>>
    %dma_wait3A_96 = arith.constant 0 : i32
    %dma_wait3A_97 = tpu.memref_slice %arg6[%mul3A_85, %dma_wait3A_96] : memref<6x128xi32, #tpu.memory_space<vmem>> -> memref<2x128xi32, #tpu.memory_space<vmem>>
    %dma_wait3A_98 = arith.constant 0 : i32
    %dma_wait3A_99 = tpu.memref_slice %arg2[%add3A_87, %dma_wait3A_98] : memref<6272x128xi32, #tpu.memory_space<hbm>> -> memref<2x128xi32, #tpu.memory_space<hbm>>
    tpu.wait_dma2 semaphore(%dma_wait3A_95 : memref<!tpu.dma_semaphore, #tpu.memory_space<semaphore_mem>>) src(%dma_wait3A_99 : memref<2x128xi32, #tpu.memory_space<hbm>>) dst(%dma_wait3A_97 : memref<2x128xi32, #tpu.memory_space<vmem>>)
    %rem3A_100 = arith.constant 0 : i32
    %rem3A_101 = arith.constant 3 : i32
    %rem3A_102 = arith.remsi %rem3A_100, %rem3A_101 : i32
    %dma_wait3A_103 = arith.constant 0 : i32
    %dma_wait3A_104 = tpu.memref_slice %arg8[%mul3A_85, %dma_wait3A_103] : memref<6x128xi32, #tpu.memory_space<vmem>> -> memref<2x128xi32, #tpu.memory_space<vmem>>
    %dma_wait3A_105 = arith.constant 0 : i32
    %dma_wait3A_106 = tpu.memref_slice %arg3[%add3A_87, %dma_wait3A_105] : memref<6272x128xi32, #tpu.memory_space<hbm>> -> memref<2x128xi32, #tpu.memory_space<hbm>>
    %dma_wait3A_107 = tpu.memref_slice %arg12[%rem3A_102] : memref<3x!tpu.dma_semaphore, #tpu.memory_space<semaphore_mem>> -> memref<1x!tpu.dma_semaphore, #tpu.memory_space<semaphore_mem>>
    %dma_wait3A_108 = tpu.memref_squeeze %dma_wait3A_107 : memref<1x!tpu.dma_semaphore, #tpu.memory_space<semaphore_mem>> -> memref<!tpu.dma_semaphore, #tpu.memory_space<semaphore_mem>>
    %dma_wait3A_109 = arith.constant 0 : i32
    %dma_wait3A_110 = tpu.memref_slice %arg8[%mul3A_85, %dma_wait3A_109] : memref<6x128xi32, #tpu.memory_space<vmem>> -> memref<2x128xi32, #tpu.memory_space<vmem>>
    %dma_wait3A_111 = arith.constant 0 : i32
    %dma_wait3A_112 = tpu.memref_slice %arg3[%add3A_87, %dma_wait3A_111] : memref<6272x128xi32, #tpu.memory_space<hbm>> -> memref<2x128xi32, #tpu.memory_space<hbm>>
    tpu.wait_dma2 semaphore(%dma_wait3A_108 : memref<!tpu.dma_semaphore, #tpu.memory_space<semaphore_mem>>) src(%dma_wait3A_112 : memref<2x128xi32, #tpu.memory_space<hbm>>) dst(%dma_wait3A_110 : memref<2x128xi32, #tpu.memory_space<vmem>>)
    %rem3A_113 = arith.constant 0 : i32
    %rem3A_114 = arith.constant 3 : i32
    %rem3A_115 = arith.remsi %rem3A_113, %rem3A_114 : i32
    %mul3A_116 = arith.constant 2 : i32
    %mul3A_117 = arith.muli %rem3A_115, %mul3A_116 : i32
    %rem3A_118 = arith.constant 0 : i32
    %rem3A_119 = arith.constant 2 : i32
    %rem3A_120 = arith.remsi %rem3A_118, %rem3A_119 : i32
    %mul3A_121 = arith.constant 2 : i32
    %mul3A_122 = arith.muli %rem3A_120, %mul3A_121 : i32
    %scan3A_123 = arith.constant 0 : i32
    %scan3A_124 = arith.constant 0 : i32
    %scan3A_125 = arith.constant 2 : i32
    %scan3A_126 = arith.addi %scan3A_124, %scan3A_125 : i32
    %scan3A_127 = arith.constant 1 : i32
    %scan3A_128 = scf.for %scan3A_176 = %scan3A_124 to %scan3A_126 step %scan3A_127 iter_args(%scan3A_177 = %scan3A_123) -> (i32)  : i32 {
      %scan3A_178 = arith.constant 0 : i32
      %scan3A_179 = arith.constant 0 : i32
      %scan3A_180 = arith.constant 8 : i32
      %scan3A_181 = arith.addi %scan3A_179, %scan3A_180 : i32
      %scan3A_182 = arith.constant 1 : i32
      %scan3A_183 = scf.for %scan3A_186 = %scan3A_179 to %scan3A_181 step %scan3A_182 iter_args(%scan3A_187 = %scan3A_178) -> (i32)  : i32 {
        %add3A_188 = arith.addi %mul3A_117, %scan3A_176 : i32
        %mul3A_189 = arith.constant 16 : i32
        %mul3A_190 = arith.muli %scan3A_186, %mul3A_189 : i32
        %get3A = arith.index_cast %add3A_188 : i32 to index
        %get3A_191 = arith.index_cast %mul3A_190 : i32 to index
        %get3A_192 = tpu.vector_load %arg6[%get3A, %get3A_191] {strides = array<i32>} : memref<6x128xi32, #tpu.memory_space<vmem>>, vector<1x16xi32>,
        %get3A_193 = vector.shape_cast %get3A_192 : vector<1x16xi32> to vector<16xi32>
        %add3A_194 = vector.broadcast %mul3A_17 : i32 to vector<16xi32>
        %add3A_195 = arith.addi %get3A_193, %add3A_194 : vector<16xi32>
        %add3A_196 = arith.addi %mul3A_122, %scan3A_176 : i32
        %mul3A_197 = arith.constant 16 : i32
        %mul3A_198 = arith.muli %scan3A_186, %mul3A_197 : i32
        %swap3A = arith.index_cast %add3A_196 : i32 to index
        %swap3A_199 = arith.index_cast %mul3A_198 : i32 to index
        %swap3A_200 = tpu.vector_load %arg7[%swap3A, %swap3A_199] {strides = array<i32>} : memref<4x128xi32, #tpu.memory_space<vmem>>, vector<1x16xi32>,
        %swap3A_201 = vector.shape_cast %swap3A_200 : vector<1x16xi32> to vector<16xi32>
        %swap3A_202 = vector.shape_cast %add3A_195 : vector<16xi32> to vector<1x16xi32>
        tpu.vector_store %arg7[%swap3A, %swap3A_199], %swap3A_202 {strides = array<i32>} : memref<4x128xi32, #tpu.memory_space<vmem>>, vector<1x16xi32>,
        %scan3A_203 = arith.constant 0 : i32
        scf.yield %scan3A_203 : i32
      }
      %scan3A_184 = arith.constant 8 : i32
      %scan3A_185 = arith.constant 0 : i32
      scf.yield %scan3A_185 : i32
    }
    %scan3A_129 = arith.constant 2 : i32
    %rem3A_130 = arith.constant 0 : i32
    %rem3A_131 = arith.constant 2 : i32
    %rem3A_132 = arith.remsi %rem3A_130, %rem3A_131 : i32
    %mul3A_133 = arith.constant 2 : i32
    %mul3A_134 = arith.muli %rem3A_132, %mul3A_133 : i32
    %rem3A_135 = arith.constant 0 : i32
    %rem3A_136 = arith.constant 2 : i32
    %rem3A_137 = arith.remsi %rem3A_135, %rem3A_136 : i32
    %add3A_138 = arith.constant 0 : i32
    %add3A_139 = arith.addi %mul3A_134, %add3A_138 : i32
    %dma_start3A_140 = arith.constant 0 : i32
    %dma_start3A_141 = arith.constant 0 : i32
    %dma_start3A_142 = arith.constant 0 : i32
    %dma_start3A_143 = tpu.memref_slice %arg9[%rem3A_137, %dma_start3A_140, %dma_start3A_141, %dma_start3A_142] : memref<2x2x128x32xf32, #tpu.memory_space<vmem>> -> memref<1x1x128x32xf32, #tpu.memory_space<vmem>>
    %dma_start3A_144 = tpu.memref_squeeze %dma_start3A_143 : memref<1x1x128x32xf32, #tpu.memory_space<vmem>> -> memref<128x32xf32, #tpu.memory_space<vmem>>
    %dma_start3A_145 = arith.constant 0 : i32
    %dma_start3A_146 = tpu.memref_slice %arg7[%add3A_139, %dma_start3A_145] : memref<4x128xi32, #tpu.memory_space<vmem>> -> memref<1x128xi32, #tpu.memory_space<vmem>>
    %dma_start3A_147 = tpu.memref_squeeze %dma_start3A_146 : memref<1x128xi32, #tpu.memory_space<vmem>> -> memref<128xi32, #tpu.memory_space<vmem>>
    %dma_start3A_148 = arith.constant 0 : i32
    %dma_start3A_149 = arith.constant 0 : i32
    %dma_start3A_150 = tpu.memref_slice %arg4[%dma_start3A_148, %dma_start3A_149] : memref<400000x32xf32, #tpu.memory_space<hbm>> -> memref<400000x32xf32, #tpu.memory_space<hbm>>
    %dma_start3A_151 = tpu.memref_slice %arg13[%rem3A_137] : memref<2x!tpu.dma_semaphore, #tpu.memory_space<semaphore_mem>> -> memref<1x!tpu.dma_semaphore, #tpu.memory_space<semaphore_mem>>
    %dma_start3A_152 = tpu.memref_squeeze %dma_start3A_151 : memref<1x!tpu.dma_semaphore, #tpu.memory_space<semaphore_mem>> -> memref<!tpu.dma_semaphore, #tpu.memory_space<semaphore_mem>>
    tpu.enqueue_indirect_dma source(%dma_start3A_150 : memref<400000x32xf32, #tpu.memory_space<hbm>>) target(%dma_start3A_144 : memref<128x32xf32, #tpu.memory_space<vmem>>) offsets(%dma_start3A_147 : memref<128xi32, #tpu.memory_space<vmem>>) semaphore(%dma_start3A_152 : memref<!tpu.dma_semaphore, #tpu.memory_space<semaphore_mem>>)
    %add3A_153 = arith.constant 1 : i32
    %add3A_154 = arith.addi %mul3A_134, %add3A_153 : i32
    %dma_start3A_155 = arith.constant 1 : i32
    %dma_start3A_156 = arith.constant 0 : i32
    %dma_start3A_157 = arith.constant 0 : i32
    %dma_start3A_158 = tpu.memref_slice %arg9[%rem3A_137, %dma_start3A_155, %dma_start3A_156, %dma_start3A_157] : memref<2x2x128x32xf32, #tpu.memory_space<vmem>> -> memref<1x1x128x32xf32, #tpu.memory_space<vmem>>
    %dma_start3A_159 = tpu.memref_squeeze %dma_start3A_158 : memref<1x1x128x32xf32, #tpu.memory_space<vmem>> -> memref<128x32xf32, #tpu.memory_space<vmem>>
    %dma_start3A_160 = arith.constant 0 : i32
    %dma_start3A_161 = tpu.memref_slice %arg7[%add3A_154, %dma_start3A_160] : memref<4x128xi32, #tpu.memory_space<vmem>> -> memref<1x128xi32, #tpu.memory_space<vmem>>
    %dma_start3A_162 = tpu.memref_squeeze %dma_start3A_161 : memref<1x128xi32, #tpu.memory_space<vmem>> -> memref<128xi32, #tpu.memory_space<vmem>>
    %dma_start3A_163 = arith.constant 0 : i32
    %dma_start3A_164 = arith.constant 0 : i32
    %dma_start3A_165 = tpu.memref_slice %arg4[%dma_start3A_163, %dma_start3A_164] : memref<400000x32xf32, #tpu.memory_space<hbm>> -> memref<400000x32xf32, #tpu.memory_space<hbm>>
    %dma_start3A_166 = tpu.memref_slice %arg13[%rem3A_137] : memref<2x!tpu.dma_semaphore, #tpu.memory_space<semaphore_mem>> -> memref<1x!tpu.dma_semaphore, #tpu.memory_space<semaphore_mem>>
    %dma_start3A_167 = tpu.memref_squeeze %dma_start3A_166 : memref<1x!tpu.dma_semaphore, #tpu.memory_space<semaphore_mem>> -> memref<!tpu.dma_semaphore, #tpu.memory_space<semaphore_mem>>
    tpu.enqueue_indirect_dma source(%dma_start3A_165 : memref<400000x32xf32, #tpu.memory_space<hbm>>) target(%dma_start3A_159 : memref<128x32xf32, #tpu.memory_space<vmem>>) offsets(%dma_start3A_162 : memref<128xi32, #tpu.memory_space<vmem>>) semaphore(%dma_start3A_167 : memref<!tpu.dma_semaphore, #tpu.memory_space<semaphore_mem>>)
    %scan3A_168 = arith.constant 0 : i32
    %scan3A_169 = arith.constant 0 : i32
    %scan3A_170 = arith.constant 196 : i32
    %scan3A_171 = arith.addi %scan3A_169, %scan3A_170 : i32
    %scan3A_172 = arith.constant 1 : i32
    %scan3A_173 = scf.for %scan3A_176 = %scan3A_169 to %scan3A_171 step %scan3A_172 iter_args(%scan3A_177 = %scan3A_168) -> (i32)  : i32 {
      %rem3A_178 = arith.constant 2 : i32
      %rem3A_179 = arith.remsi %scan3A_176, %rem3A_178 : i32
      %rem3A_180 = arith.constant 3 : i32
      %rem3A_181 = arith.remsi %scan3A_176, %rem3A_180 : i32
      %mul3A_182 = arith.constant 2 : i32
      %mul3A_183 = arith.muli %rem3A_181, %mul3A_182 : i32
      %add3A_184 = arith.constant 2 : i32
      %add3A_185 = arith.addi %scan3A_176, %add3A_184 : i32
      %lt3A = arith.constant 196 : i32
      %lt3A_186 = arith.cmpi slt, %add3A_185, %lt3A : i32
      %convert_element_type3A = arith.extui %lt3A_186 : i1 to i32
      %cond3A = arith.constant 0 : i32
      %cond3A_187 = arith.cmpi ne, %convert_element_type3A, %cond3A : i32
      scf.if %cond3A_187 {
        %add3A_233 = arith.constant 2 : i32
        %add3A_234 = arith.addi %scan3A_176, %add3A_233 : i32
        %rem3A_235 = arith.constant 3 : i32
        %rem3A_236 = arith.remsi %add3A_234, %rem3A_235 : i32
        %mul3A_237 = arith.constant 2 : i32
        %mul3A_238 = arith.muli %rem3A_236, %mul3A_237 : i32
        %mul3A_239 = arith.constant 2 : i32
        %mul3A_240 = arith.muli %add3A_234, %mul3A_239 : i32
        %add3A_241 = arith.addi %mul3A_15, %mul3A_240 : i32
        %rem3A_242 = arith.constant 3 : i32
        %rem3A_243 = arith.remsi %add3A_234, %rem3A_242 : i32
        %dma_start3A_244 = arith.constant 0 : i32
        %dma_start3A_245 = tpu.memref_slice %arg6[%mul3A_238, %dma_start3A_244] : memref<6x128xi32, #tpu.memory_space<vmem>> -> memref<2x128xi32, #tpu.memory_space<vmem>>
        %dma_start3A_246 = arith.constant 0 : i32
        %dma_start3A_247 = tpu.memref_slice %arg2[%add3A_241, %dma_start3A_246] : memref<6272x128xi32, #tpu.memory_space<hbm>> -> memref<2x128xi32, #tpu.memory_space<hbm>>
        %dma_start3A_248 = tpu.memref_slice %arg12[%rem3A_243] : memref<3x!tpu.dma_semaphore, #tpu.memory_space<semaphore_mem>> -> memref<1x!tpu.dma_semaphore, #tpu.memory_space<semaphore_mem>>
        %dma_start3A_249 = tpu.memref_squeeze %dma_start3A_248 : memref<1x!tpu.dma_semaphore, #tpu.memory_space<semaphore_mem>> -> memref<!tpu.dma_semaphore, #tpu.memory_space<semaphore_mem>>
        %dma_start3A_250 = arith.constant 0 : i32
        %dma_start3A_251 = tpu.memref_slice %arg6[%mul3A_238, %dma_start3A_250] : memref<6x128xi32, #tpu.memory_space<vmem>> -> memref<2x128xi32, #tpu.memory_space<vmem>>
        %dma_start3A_252 = arith.constant 0 : i32
        %dma_start3A_253 = tpu.memref_slice %arg2[%add3A_241, %dma_start3A_252] : memref<6272x128xi32, #tpu.memory_space<hbm>> -> memref<2x128xi32, #tpu.memory_space<hbm>>
        tpu.enqueue_dma source(%dma_start3A_253 : memref<2x128xi32, #tpu.memory_space<hbm>>) target(%dma_start3A_251 : memref<2x128xi32, #tpu.memory_space<vmem>>) target_semaphore(%dma_start3A_249 : memref<!tpu.dma_semaphore, #tpu.memory_space<semaphore_mem>>)
        %rem3A_254 = arith.constant 3 : i32
        %rem3A_255 = arith.remsi %add3A_234, %rem3A_254 : i32
        %dma_start3A_256 = arith.constant 0 : i32
        %dma_start3A_257 = tpu.memref_slice %arg8[%mul3A_238, %dma_start3A_256] : memref<6x128xi32, #tpu.memory_space<vmem>> -> memref<2x128xi32, #tpu.memory_space<vmem>>
        %dma_start3A_258 = arith.constant 0 : i32
        %dma_start3A_259 = tpu.memref_slice %arg3[%add3A_241, %dma_start3A_258] : memref<6272x128xi32, #tpu.memory_space<hbm>> -> memref<2x128xi32, #tpu.memory_space<hbm>>
        %dma_start3A_260 = tpu.memref_slice %arg12[%rem3A_255] : memref<3x!tpu.dma_semaphore, #tpu.memory_space<semaphore_mem>> -> memref<1x!tpu.dma_semaphore, #tpu.memory_space<semaphore_mem>>
        %dma_start3A_261 = tpu.memref_squeeze %dma_start3A_260 : memref<1x!tpu.dma_semaphore, #tpu.memory_space<semaphore_mem>> -> memref<!tpu.dma_semaphore, #tpu.memory_space<semaphore_mem>>
        %dma_start3A_262 = arith.constant 0 : i32
        %dma_start3A_263 = tpu.memref_slice %arg8[%mul3A_238, %dma_start3A_262] : memref<6x128xi32, #tpu.memory_space<vmem>> -> memref<2x128xi32, #tpu.memory_space<vmem>>
        %dma_start3A_264 = arith.constant 0 : i32
        %dma_start3A_265 = tpu.memref_slice %arg3[%add3A_241, %dma_start3A_264] : memref<6272x128xi32, #tpu.memory_space<hbm>> -> memref<2x128xi32, #tpu.memory_space<hbm>>
        tpu.enqueue_dma source(%dma_start3A_265 : memref<2x128xi32, #tpu.memory_space<hbm>>) target(%dma_start3A_263 : memref<2x128xi32, #tpu.memory_space<vmem>>) target_semaphore(%dma_start3A_261 : memref<!tpu.dma_semaphore, #tpu.memory_space<semaphore_mem>>)
      } else {
      }
      %add3A_188 = arith.constant 1 : i32
      %add3A_189 = arith.addi %scan3A_176, %add3A_188 : i32
      %lt3A_190 = arith.constant 196 : i32
      %lt3A_191 = arith.cmpi slt, %add3A_189, %lt3A_190 : i32
      %convert_element_type3A_192 = arith.extui %lt3A_191 : i1 to i32
      %cond3A_193 = arith.constant 0 : i32
      %cond3A_194 = arith.cmpi ne, %convert_element_type3A_192, %cond3A_193 : i32
      scf.if %cond3A_194 {
        %add3A_233 = arith.constant 1 : i32
        %add3A_234 = arith.addi %scan3A_176, %add3A_233 : i32
        %rem3A_235 = arith.constant 3 : i32
        %rem3A_236 = arith.remsi %add3A_234, %rem3A_235 : i32
        %mul3A_237 = arith.constant 2 : i32
        %mul3A_238 = arith.muli %rem3A_236, %mul3A_237 : i32
        %mul3A_239 = arith.constant 2 : i32
        %mul3A_240 = arith.muli %add3A_234, %mul3A_239 : i32
        %add3A_241 = arith.addi %mul3A_15, %mul3A_240 : i32
        %rem3A_242 = arith.constant 3 : i32
        %rem3A_243 = arith.remsi %add3A_234, %rem3A_242 : i32
        %dma_wait3A_244 = arith.constant 0 : i32
        %dma_wait3A_245 = tpu.memref_slice %arg6[%mul3A_238, %dma_wait3A_244] : memref<6x128xi32, #tpu.memory_space<vmem>> -> memref<2x128xi32, #tpu.memory_space<vmem>>
        %dma_wait3A_246 = arith.constant 0 : i32
        %dma_wait3A_247 = tpu.memref_slice %arg2[%add3A_241, %dma_wait3A_246] : memref<6272x128xi32, #tpu.memory_space<hbm>> -> memref<2x128xi32, #tpu.memory_space<hbm>>
        %dma_wait3A_248 = tpu.memref_slice %arg12[%rem3A_243] : memref<3x!tpu.dma_semaphore, #tpu.memory_space<semaphore_mem>> -> memref<1x!tpu.dma_semaphore, #tpu.memory_space<semaphore_mem>>
        %dma_wait3A_249 = tpu.memref_squeeze %dma_wait3A_248 : memref<1x!tpu.dma_semaphore, #tpu.memory_space<semaphore_mem>> -> memref<!tpu.dma_semaphore, #tpu.memory_space<semaphore_mem>>
        %dma_wait3A_250 = arith.constant 0 : i32
        %dma_wait3A_251 = tpu.memref_slice %arg6[%mul3A_238, %dma_wait3A_250] : memref<6x128xi32, #tpu.memory_space<vmem>> -> memref<2x128xi32, #tpu.memory_space<vmem>>
        %dma_wait3A_252 = arith.constant 0 : i32
        %dma_wait3A_253 = tpu.memref_slice %arg2[%add3A_241, %dma_wait3A_252] : memref<6272x128xi32, #tpu.memory_space<hbm>> -> memref<2x128xi32, #tpu.memory_space<hbm>>
        tpu.wait_dma2 semaphore(%dma_wait3A_249 : memref<!tpu.dma_semaphore, #tpu.memory_space<semaphore_mem>>) src(%dma_wait3A_253 : memref<2x128xi32, #tpu.memory_space<hbm>>) dst(%dma_wait3A_251 : memref<2x128xi32, #tpu.memory_space<vmem>>)
        %rem3A_254 = arith.constant 3 : i32
        %rem3A_255 = arith.remsi %add3A_234, %rem3A_254 : i32
        %dma_wait3A_256 = arith.constant 0 : i32
        %dma_wait3A_257 = tpu.memref_slice %arg8[%mul3A_238, %dma_wait3A_256] : memref<6x128xi32, #tpu.memory_space<vmem>> -> memref<2x128xi32, #tpu.memory_space<vmem>>
        %dma_wait3A_258 = arith.constant 0 : i32
        %dma_wait3A_259 = tpu.memref_slice %arg3[%add3A_241, %dma_wait3A_258] : memref<6272x128xi32, #tpu.memory_space<hbm>> -> memref<2x128xi32, #tpu.memory_space<hbm>>
        %dma_wait3A_260 = tpu.memref_slice %arg12[%rem3A_255] : memref<3x!tpu.dma_semaphore, #tpu.memory_space<semaphore_mem>> -> memref<1x!tpu.dma_semaphore, #tpu.memory_space<semaphore_mem>>
        %dma_wait3A_261 = tpu.memref_squeeze %dma_wait3A_260 : memref<1x!tpu.dma_semaphore, #tpu.memory_space<semaphore_mem>> -> memref<!tpu.dma_semaphore, #tpu.memory_space<semaphore_mem>>
        %dma_wait3A_262 = arith.constant 0 : i32
        %dma_wait3A_263 = tpu.memref_slice %arg8[%mul3A_238, %dma_wait3A_262] : memref<6x128xi32, #tpu.memory_space<vmem>> -> memref<2x128xi32, #tpu.memory_space<vmem>>
        %dma_wait3A_264 = arith.constant 0 : i32
        %dma_wait3A_265 = tpu.memref_slice %arg3[%add3A_241, %dma_wait3A_264] : memref<6272x128xi32, #tpu.memory_space<hbm>> -> memref<2x128xi32, #tpu.memory_space<hbm>>
        tpu.wait_dma2 semaphore(%dma_wait3A_261 : memref<!tpu.dma_semaphore, #tpu.memory_space<semaphore_mem>>) src(%dma_wait3A_265 : memref<2x128xi32, #tpu.memory_space<hbm>>) dst(%dma_wait3A_263 : memref<2x128xi32, #tpu.memory_space<vmem>>)
        %add3A_266 = arith.constant 1 : i32
        %add3A_267 = arith.addi %scan3A_176, %add3A_266 : i32
        %rem3A_268 = arith.constant 3 : i32
        %rem3A_269 = arith.remsi %add3A_267, %rem3A_268 : i32
        %mul3A_270 = arith.constant 2 : i32
        %mul3A_271 = arith.muli %rem3A_269, %mul3A_270 : i32
        %rem3A_272 = arith.constant 2 : i32
        %rem3A_273 = arith.remsi %add3A_267, %rem3A_272 : i32
        %mul3A_274 = arith.constant 2 : i32
        %mul3A_275 = arith.muli %rem3A_273, %mul3A_274 : i32
        %scan3A_276 = arith.constant 0 : i32
        %scan3A_277 = arith.constant 0 : i32
        %scan3A_278 = arith.constant 2 : i32
        %scan3A_279 = arith.addi %scan3A_277, %scan3A_278 : i32
        %scan3A_280 = arith.constant 1 : i32
        %scan3A_281 = scf.for %scan3A_321 = %scan3A_277 to %scan3A_279 step %scan3A_280 iter_args(%scan3A_322 = %scan3A_276) -> (i32)  : i32 {
          %scan3A_323 = arith.constant 0 : i32
          %scan3A_324 = arith.constant 0 : i32
          %scan3A_325 = arith.constant 8 : i32
          %scan3A_326 = arith.addi %scan3A_324, %scan3A_325 : i32
          %scan3A_327 = arith.constant 1 : i32
          %scan3A_328 = scf.for %scan3A_331 = %scan3A_324 to %scan3A_326 step %scan3A_327 iter_args(%scan3A_332 = %scan3A_323) -> (i32)  : i32 {
            %add3A_333 = arith.addi %mul3A_271, %scan3A_321 : i32
            %mul3A_334 = arith.constant 16 : i32
            %mul3A_335 = arith.muli %scan3A_331, %mul3A_334 : i32
            %get3A = arith.index_cast %add3A_333 : i32 to index
            %get3A_336 = arith.index_cast %mul3A_335 : i32 to index
            %get3A_337 = tpu.vector_load %arg6[%get3A, %get3A_336] {strides = array<i32>} : memref<6x128xi32, #tpu.memory_space<vmem>>, vector<1x16xi32>,
            %get3A_338 = vector.shape_cast %get3A_337 : vector<1x16xi32> to vector<16xi32>
            %add3A_339 = vector.broadcast %mul3A_17 : i32 to vector<16xi32>
            %add3A_340 = arith.addi %get3A_338, %add3A_339 : vector<16xi32>
            %add3A_341 = arith.addi %mul3A_275, %scan3A_321 : i32
            %mul3A_342 = arith.constant 16 : i32
            %mul3A_343 = arith.muli %scan3A_331, %mul3A_342 : i32
            %swap3A = arith.index_cast %add3A_341 : i32 to index
            %swap3A_344 = arith.index_cast %mul3A_343 : i32 to index
            %swap3A_345 = tpu.vector_load %arg7[%swap3A, %swap3A_344] {strides = array<i32>} : memref<4x128xi32, #tpu.memory_space<vmem>>, vector<1x16xi32>,
            %swap3A_346 = vector.shape_cast %swap3A_345 : vector<1x16xi32> to vector<16xi32>
            %swap3A_347 = vector.shape_cast %add3A_340 : vector<16xi32> to vector<1x16xi32>
            tpu.vector_store %arg7[%swap3A, %swap3A_344], %swap3A_347 {strides = array<i32>} : memref<4x128xi32, #tpu.memory_space<vmem>>, vector<1x16xi32>,
            %scan3A_348 = arith.constant 0 : i32
            scf.yield %scan3A_348 : i32
          }
          %scan3A_329 = arith.constant 8 : i32
          %scan3A_330 = arith.constant 0 : i32
          scf.yield %scan3A_330 : i32
        }
        %scan3A_282 = arith.constant 2 : i32
        %add3A_283 = arith.constant 1 : i32
        %add3A_284 = arith.addi %scan3A_176, %add3A_283 : i32
        %rem3A_285 = arith.constant 2 : i32
        %rem3A_286 = arith.remsi %add3A_284, %rem3A_285 : i32
        %mul3A_287 = arith.constant 2 : i32
        %mul3A_288 = arith.muli %rem3A_286, %mul3A_287 : i32
        %rem3A_289 = arith.constant 2 : i32
        %rem3A_290 = arith.remsi %add3A_284, %rem3A_289 : i32
        %add3A_291 = arith.constant 0 : i32
        %add3A_292 = arith.addi %mul3A_288, %add3A_291 : i32
        %dma_start3A_293 = arith.constant 0 : i32
        %dma_start3A_294 = arith.constant 0 : i32
        %dma_start3A_295 = arith.constant 0 : i32
        %dma_start3A_296 = tpu.memref_slice %arg9[%rem3A_290, %dma_start3A_293, %dma_start3A_294, %dma_start3A_295] : memref<2x2x128x32xf32, #tpu.memory_space<vmem>> -> memref<1x1x128x32xf32, #tpu.memory_space<vmem>>
        %dma_start3A_297 = tpu.memref_squeeze %dma_start3A_296 : memref<1x1x128x32xf32, #tpu.memory_space<vmem>> -> memref<128x32xf32, #tpu.memory_space<vmem>>
        %dma_start3A_298 = arith.constant 0 : i32
        %dma_start3A_299 = tpu.memref_slice %arg7[%add3A_292, %dma_start3A_298] : memref<4x128xi32, #tpu.memory_space<vmem>> -> memref<1x128xi32, #tpu.memory_space<vmem>>
        %dma_start3A_300 = tpu.memref_squeeze %dma_start3A_299 : memref<1x128xi32, #tpu.memory_space<vmem>> -> memref<128xi32, #tpu.memory_space<vmem>>
        %dma_start3A_301 = arith.constant 0 : i32
        %dma_start3A_302 = arith.constant 0 : i32
        %dma_start3A_303 = tpu.memref_slice %arg4[%dma_start3A_301, %dma_start3A_302] : memref<400000x32xf32, #tpu.memory_space<hbm>> -> memref<400000x32xf32, #tpu.memory_space<hbm>>
        %dma_start3A_304 = tpu.memref_slice %arg13[%rem3A_290] : memref<2x!tpu.dma_semaphore, #tpu.memory_space<semaphore_mem>> -> memref<1x!tpu.dma_semaphore, #tpu.memory_space<semaphore_mem>>
        %dma_start3A_305 = tpu.memref_squeeze %dma_start3A_304 : memref<1x!tpu.dma_semaphore, #tpu.memory_space<semaphore_mem>> -> memref<!tpu.dma_semaphore, #tpu.memory_space<semaphore_mem>>
        tpu.enqueue_indirect_dma source(%dma_start3A_303 : memref<400000x32xf32, #tpu.memory_space<hbm>>) target(%dma_start3A_297 : memref<128x32xf32, #tpu.memory_space<vmem>>) offsets(%dma_start3A_300 : memref<128xi32, #tpu.memory_space<vmem>>) semaphore(%dma_start3A_305 : memref<!tpu.dma_semaphore, #tpu.memory_space<semaphore_mem>>)
        %add3A_306 = arith.constant 1 : i32
        %add3A_307 = arith.addi %mul3A_288, %add3A_306 : i32
        %dma_start3A_308 = arith.constant 1 : i32
        %dma_start3A_309 = arith.constant 0 : i32
        %dma_start3A_310 = arith.constant 0 : i32
        %dma_start3A_311 = tpu.memref_slice %arg9[%rem3A_290, %dma_start3A_308, %dma_start3A_309, %dma_start3A_310] : memref<2x2x128x32xf32, #tpu.memory_space<vmem>> -> memref<1x1x128x32xf32, #tpu.memory_space<vmem>>
        %dma_start3A_312 = tpu.memref_squeeze %dma_start3A_311 : memref<1x1x128x32xf32, #tpu.memory_space<vmem>> -> memref<128x32xf32, #tpu.memory_space<vmem>>
        %dma_start3A_313 = arith.constant 0 : i32
        %dma_start3A_314 = tpu.memref_slice %arg7[%add3A_307, %dma_start3A_313] : memref<4x128xi32, #tpu.memory_space<vmem>> -> memref<1x128xi32, #tpu.memory_space<vmem>>
        %dma_start3A_315 = tpu.memref_squeeze %dma_start3A_314 : memref<1x128xi32, #tpu.memory_space<vmem>> -> memref<128xi32, #tpu.memory_space<vmem>>
        %dma_start3A_316 = arith.constant 0 : i32
        %dma_start3A_317 = arith.constant 0 : i32
        %dma_start3A_318 = tpu.memref_slice %arg4[%dma_start3A_316, %dma_start3A_317] : memref<400000x32xf32, #tpu.memory_space<hbm>> -> memref<400000x32xf32, #tpu.memory_space<hbm>>
        %dma_start3A_319 = tpu.memref_slice %arg13[%rem3A_290] : memref<2x!tpu.dma_semaphore, #tpu.memory_space<semaphore_mem>> -> memref<1x!tpu.dma_semaphore, #tpu.memory_space<semaphore_mem>>
        %dma_start3A_320 = tpu.memref_squeeze %dma_start3A_319 : memref<1x!tpu.dma_semaphore, #tpu.memory_space<semaphore_mem>> -> memref<!tpu.dma_semaphore, #tpu.memory_space<semaphore_mem>>
        tpu.enqueue_indirect_dma source(%dma_start3A_318 : memref<400000x32xf32, #tpu.memory_space<hbm>>) target(%dma_start3A_312 : memref<128x32xf32, #tpu.memory_space<vmem>>) offsets(%dma_start3A_315 : memref<128xi32, #tpu.memory_space<vmem>>) semaphore(%dma_start3A_320 : memref<!tpu.dma_semaphore, #tpu.memory_space<semaphore_mem>>)
      } else {
      }
      %mul3A_195 = arith.constant 2 : i32
      %mul3A_196 = arith.muli %rem3A_179, %mul3A_195 : i32
      %add3A_197 = arith.constant 0 : i32
      %add3A_198 = arith.addi %mul3A_196, %add3A_197 : i32
      %dma_wait3A_199 = arith.constant 0 : i32
      %dma_wait3A_200 = arith.constant 0 : i32
      %dma_wait3A_201 = arith.constant 0 : i32
      %dma_wait3A_202 = tpu.memref_slice %arg9[%rem3A_179, %dma_wait3A_199, %dma_wait3A_200, %dma_wait3A_201] : memref<2x2x128x32xf32, #tpu.memory_space<vmem>> -> memref<1x1x128x32xf32, #tpu.memory_space<vmem>>
      %dma_wait3A_203 = tpu.memref_squeeze %dma_wait3A_202 : memref<1x1x128x32xf32, #tpu.memory_space<vmem>> -> memref<128x32xf32, #tpu.memory_space<vmem>>
      %dma_wait3A_204 = arith.constant 0 : i32
      %dma_wait3A_205 = tpu.memref_slice %arg7[%add3A_198, %dma_wait3A_204] : memref<4x128xi32, #tpu.memory_space<vmem>> -> memref<1x128xi32, #tpu.memory_space<vmem>>
      %dma_wait3A_206 = tpu.memref_squeeze %dma_wait3A_205 : memref<1x128xi32, #tpu.memory_space<vmem>> -> memref<128xi32, #tpu.memory_space<vmem>>
      %dma_wait3A_207 = arith.constant 0 : i32
      %dma_wait3A_208 = arith.constant 0 : i32
      %dma_wait3A_209 = tpu.memref_slice %arg4[%dma_wait3A_207, %dma_wait3A_208] : memref<400000x32xf32, #tpu.memory_space<hbm>> -> memref<400000x32xf32, #tpu.memory_space<hbm>>
      %dma_wait3A_210 = tpu.memref_slice %arg13[%rem3A_179] : memref<2x!tpu.dma_semaphore, #tpu.memory_space<semaphore_mem>> -> memref<1x!tpu.dma_semaphore, #tpu.memory_space<semaphore_mem>>
      %dma_wait3A_211 = tpu.memref_squeeze %dma_wait3A_210 : memref<1x!tpu.dma_semaphore, #tpu.memory_space<semaphore_mem>> -> memref<!tpu.dma_semaphore, #tpu.memory_space<semaphore_mem>>
      tpu.wait_indirect_dma semaphore(%dma_wait3A_211 : memref<!tpu.dma_semaphore, #tpu.memory_space<semaphore_mem>>) src(%dma_wait3A_209 : memref<400000x32xf32, #tpu.memory_space<hbm>>) dst(%dma_wait3A_203 : memref<128x32xf32, #tpu.memory_space<vmem>>)
      %add3A_212 = arith.constant 0 : i32
      %add3A_213 = arith.addi %mul3A_183, %add3A_212 : i32
      %run_scoped3A = arith.constant 0 : i32
      "tpu.region"() ({
        %run_scoped3A_233 = tpu.sem_alloc : memref<!tpu.dma_semaphore, #tpu.memory_space<semaphore_mem>>
        %dma_start3A_234 = arith.constant 0 : i32
        %dma_start3A_235 = arith.constant 0 : i32
        %dma_start3A_236 = tpu.memref_slice %arg9[%rem3A_179, %run_scoped3A, %dma_start3A_234, %dma_start3A_235] : memref<2x2x128x32xf32, #tpu.memory_space<vmem>> -> memref<1x1x128x32xf32, #tpu.memory_space<vmem>>
        %dma_start3A_237 = tpu.memref_squeeze %dma_start3A_236 : memref<1x1x128x32xf32, #tpu.memory_space<vmem>> -> memref<128x32xf32, #tpu.memory_space<vmem>>
        %dma_start3A_238 = arith.constant 0 : i32
        %dma_start3A_239 = tpu.memref_slice %arg8[%add3A_213, %dma_start3A_238] : memref<6x128xi32, #tpu.memory_space<vmem>> -> memref<1x128xi32, #tpu.memory_space<vmem>>
        %dma_start3A_240 = tpu.memref_squeeze %dma_start3A_239 : memref<1x128xi32, #tpu.memory_space<vmem>> -> memref<128xi32, #tpu.memory_space<vmem>>
        %dma_start3A_241 = arith.constant 0 : i32
        %dma_start3A_242 = arith.constant 0 : i32
        %dma_start3A_243 = tpu.memref_slice %arg11[%dma_start3A_241, %dma_start3A_242] : memref<51200x32xf32, #tpu.memory_space<vmem_shared>> -> memref<51200x32xf32, #tpu.memory_space<vmem_shared>>
        tpu.enqueue_indirect_dma source(%dma_start3A_237 : memref<128x32xf32, #tpu.memory_space<vmem>>) target(%dma_start3A_243 : memref<51200x32xf32, #tpu.memory_space<vmem_shared>>) offsets(%dma_start3A_240 : memref<128xi32, #tpu.memory_space<vmem>>) semaphore(%run_scoped3A_233 : memref<!tpu.dma_semaphore, #tpu.memory_space<semaphore_mem>>) {add = true}
        %dma_wait3A_244 = arith.constant 0 : i32
        %dma_wait3A_245 = arith.constant 0 : i32
        %dma_wait3A_246 = tpu.memref_slice %arg9[%rem3A_179, %run_scoped3A, %dma_wait3A_244, %dma_wait3A_245] : memref<2x2x128x32xf32, #tpu.memory_space<vmem>> -> memref<1x1x128x32xf32, #tpu.memory_space<vmem>>
        %dma_wait3A_247 = tpu.memref_squeeze %dma_wait3A_246 : memref<1x1x128x32xf32, #tpu.memory_space<vmem>> -> memref<128x32xf32, #tpu.memory_space<vmem>>
        %dma_wait3A_248 = arith.constant 0 : i32
        %dma_wait3A_249 = tpu.memref_slice %arg8[%add3A_213, %dma_wait3A_248] : memref<6x128xi32, #tpu.memory_space<vmem>> -> memref<1x128xi32, #tpu.memory_space<vmem>>
        %dma_wait3A_250 = tpu.memref_squeeze %dma_wait3A_249 : memref<1x128xi32, #tpu.memory_space<vmem>> -> memref<128xi32, #tpu.memory_space<vmem>>
        %dma_wait3A_251 = arith.constant 0 : i32
        %dma_wait3A_252 = arith.constant 0 : i32
        %dma_wait3A_253 = tpu.memref_slice %arg11[%dma_wait3A_251, %dma_wait3A_252] : memref<51200x32xf32, #tpu.memory_space<vmem_shared>> -> memref<51200x32xf32, #tpu.memory_space<vmem_shared>>
        tpu.wait_indirect_dma semaphore(%run_scoped3A_233 : memref<!tpu.dma_semaphore, #tpu.memory_space<semaphore_mem>>) src(%dma_wait3A_247 : memref<128x32xf32, #tpu.memory_space<vmem>>) dst(%dma_wait3A_253 : memref<51200x32xf32, #tpu.memory_space<vmem_shared>>)
        tpu.yield
      }) : () -> ()
      %add3A_214 = arith.constant 1 : i32
      %add3A_215 = arith.addi %mul3A_196, %add3A_214 : i32
      %dma_wait3A_216 = arith.constant 1 : i32
      %dma_wait3A_217 = arith.constant 0 : i32
      %dma_wait3A_218 = arith.constant 0 : i32
      %dma_wait3A_219 = tpu.memref_slice %arg9[%rem3A_179, %dma_wait3A_216, %dma_wait3A_217, %dma_wait3A_218] : memref<2x2x128x32xf32, #tpu.memory_space<vmem>> -> memref<1x1x128x32xf32, #tpu.memory_space<vmem>>
      %dma_wait3A_220 = tpu.memref_squeeze %dma_wait3A_219 : memref<1x1x128x32xf32, #tpu.memory_space<vmem>> -> memref<128x32xf32, #tpu.memory_space<vmem>>
      %dma_wait3A_221 = arith.constant 0 : i32
      %dma_wait3A_222 = tpu.memref_slice %arg7[%add3A_215, %dma_wait3A_221] : memref<4x128xi32, #tpu.memory_space<vmem>> -> memref<1x128xi32, #tpu.memory_space<vmem>>
      %dma_wait3A_223 = tpu.memref_squeeze %dma_wait3A_222 : memref<1x128xi32, #tpu.memory_space<vmem>> -> memref<128xi32, #tpu.memory_space<vmem>>
      %dma_wait3A_224 = arith.constant 0 : i32
      %dma_wait3A_225 = arith.constant 0 : i32
      %dma_wait3A_226 = tpu.memref_slice %arg4[%dma_wait3A_224, %dma_wait3A_225] : memref<400000x32xf32, #tpu.memory_space<hbm>> -> memref<400000x32xf32, #tpu.memory_space<hbm>>
      %dma_wait3A_227 = tpu.memref_slice %arg13[%rem3A_179] : memref<2x!tpu.dma_semaphore, #tpu.memory_space<semaphore_mem>> -> memref<1x!tpu.dma_semaphore, #tpu.memory_space<semaphore_mem>>
      %dma_wait3A_228 = tpu.memref_squeeze %dma_wait3A_227 : memref<1x!tpu.dma_semaphore, #tpu.memory_space<semaphore_mem>> -> memref<!tpu.dma_semaphore, #tpu.memory_space<semaphore_mem>>
      tpu.wait_indirect_dma semaphore(%dma_wait3A_228 : memref<!tpu.dma_semaphore, #tpu.memory_space<semaphore_mem>>) src(%dma_wait3A_226 : memref<400000x32xf32, #tpu.memory_space<hbm>>) dst(%dma_wait3A_220 : memref<128x32xf32, #tpu.memory_space<vmem>>)
      %add3A_229 = arith.constant 1 : i32
      %add3A_230 = arith.addi %mul3A_183, %add3A_229 : i32
      %run_scoped3A_231 = arith.constant 1 : i32
      "tpu.region"() ({
        %run_scoped3A_233 = tpu.sem_alloc : memref<!tpu.dma_semaphore, #tpu.memory_space<semaphore_mem>>
        %dma_start3A_234 = arith.constant 0 : i32
        %dma_start3A_235 = arith.constant 0 : i32
        %dma_start3A_236 = tpu.memref_slice %arg9[%rem3A_179, %run_scoped3A_231, %dma_start3A_234, %dma_start3A_235] : memref<2x2x128x32xf32, #tpu.memory_space<vmem>> -> memref<1x1x128x32xf32, #tpu.memory_space<vmem>>
        %dma_start3A_237 = tpu.memref_squeeze %dma_start3A_236 : memref<1x1x128x32xf32, #tpu.memory_space<vmem>> -> memref<128x32xf32, #tpu.memory_space<vmem>>
        %dma_start3A_238 = arith.constant 0 : i32
        %dma_start3A_239 = tpu.memref_slice %arg8[%add3A_230, %dma_start3A_238] : memref<6x128xi32, #tpu.memory_space<vmem>> -> memref<1x128xi32, #tpu.memory_space<vmem>>
        %dma_start3A_240 = tpu.memref_squeeze %dma_start3A_239 : memref<1x128xi32, #tpu.memory_space<vmem>> -> memref<128xi32, #tpu.memory_space<vmem>>
        %dma_start3A_241 = arith.constant 0 : i32
        %dma_start3A_242 = arith.constant 0 : i32
        %dma_start3A_243 = tpu.memref_slice %arg11[%dma_start3A_241, %dma_start3A_242] : memref<51200x32xf32, #tpu.memory_space<vmem_shared>> -> memref<51200x32xf32, #tpu.memory_space<vmem_shared>>
        tpu.enqueue_indirect_dma source(%dma_start3A_237 : memref<128x32xf32, #tpu.memory_space<vmem>>) target(%dma_start3A_243 : memref<51200x32xf32, #tpu.memory_space<vmem_shared>>) offsets(%dma_start3A_240 : memref<128xi32, #tpu.memory_space<vmem>>) semaphore(%run_scoped3A_233 : memref<!tpu.dma_semaphore, #tpu.memory_space<semaphore_mem>>) {add = true}
        %dma_wait3A_244 = arith.constant 0 : i32
        %dma_wait3A_245 = arith.constant 0 : i32
        %dma_wait3A_246 = tpu.memref_slice %arg9[%rem3A_179, %run_scoped3A_231, %dma_wait3A_244, %dma_wait3A_245] : memref<2x2x128x32xf32, #tpu.memory_space<vmem>> -> memref<1x1x128x32xf32, #tpu.memory_space<vmem>>
        %dma_wait3A_247 = tpu.memref_squeeze %dma_wait3A_246 : memref<1x1x128x32xf32, #tpu.memory_space<vmem>> -> memref<128x32xf32, #tpu.memory_space<vmem>>
        %dma_wait3A_248 = arith.constant 0 : i32
        %dma_wait3A_249 = tpu.memref_slice %arg8[%add3A_230, %dma_wait3A_248] : memref<6x128xi32, #tpu.memory_space<vmem>> -> memref<1x128xi32, #tpu.memory_space<vmem>>
        %dma_wait3A_250 = tpu.memref_squeeze %dma_wait3A_249 : memref<1x128xi32, #tpu.memory_space<vmem>> -> memref<128xi32, #tpu.memory_space<vmem>>
        %dma_wait3A_251 = arith.constant 0 : i32
        %dma_wait3A_252 = arith.constant 0 : i32
        %dma_wait3A_253 = tpu.memref_slice %arg11[%dma_wait3A_251, %dma_wait3A_252] : memref<51200x32xf32, #tpu.memory_space<vmem_shared>> -> memref<51200x32xf32, #tpu.memory_space<vmem_shared>>
        tpu.wait_indirect_dma semaphore(%run_scoped3A_233 : memref<!tpu.dma_semaphore, #tpu.memory_space<semaphore_mem>>) src(%dma_wait3A_247 : memref<128x32xf32, #tpu.memory_space<vmem>>) dst(%dma_wait3A_253 : memref<51200x32xf32, #tpu.memory_space<vmem_shared>>)
        tpu.yield
      }) : () -> ()
      %scan3A_232 = arith.constant 0 : i32
      scf.yield %scan3A_232 : i32
    }
    %scan3A_174 = arith.constant 196 : i32
    %barrier3A_175 = arith.constant 0 : index
    tpu.barrier barrier_id(%barrier3A_175)
    "tpu.region"() ({
      %run_scoped3A = tpu.sem_alloc : memref<!tpu.dma_semaphore, #tpu.memory_space<semaphore_mem>>
      %dma_start3A_176 = arith.constant 0 : i32
      %dma_start3A_177 = tpu.memref_slice %arg5[%arg0, %mul3A_6, %dma_start3A_176] : memref<2x51200x32xf32, #tpu.memory_space<hbm>> -> memref<1x3200x32xf32, #tpu.memory_space<hbm>>
      %dma_start3A_178 = tpu.memref_squeeze %dma_start3A_177 : memref<1x3200x32xf32, #tpu.memory_space<hbm>> -> memref<3200x32xf32, #tpu.memory_space<hbm>>
      %dma_start3A_179 = arith.constant 0 : i32
      %dma_start3A_180 = tpu.memref_slice %arg11[%mul3A_6, %dma_start3A_179] : memref<51200x32xf32, #tpu.memory_space<vmem_shared>> -> memref<3200x32xf32, #tpu.memory_space<vmem_shared>>
      tpu.enqueue_dma source(%dma_start3A_180 : memref<3200x32xf32, #tpu.memory_space<vmem_shared>>) target(%dma_start3A_178 : memref<3200x32xf32, #tpu.memory_space<hbm>>) target_semaphore(%run_scoped3A : memref<!tpu.dma_semaphore, #tpu.memory_space<semaphore_mem>>)
      %dma_wait3A_181 = arith.constant 0 : i32
      %dma_wait3A_182 = tpu.memref_slice %arg5[%arg0, %mul3A_6, %dma_wait3A_181] : memref<2x51200x32xf32, #tpu.memory_space<hbm>> -> memref<1x3200x32xf32, #tpu.memory_space<hbm>>
      %dma_wait3A_183 = tpu.memref_squeeze %dma_wait3A_182 : memref<1x3200x32xf32, #tpu.memory_space<hbm>> -> memref<3200x32xf32, #tpu.memory_space<hbm>>
      %dma_wait3A_184 = arith.constant 0 : i32
      %dma_wait3A_185 = tpu.memref_slice %arg11[%mul3A_6, %dma_wait3A_184] : memref<51200x32xf32, #tpu.memory_space<vmem_shared>> -> memref<3200x32xf32, #tpu.memory_space<vmem_shared>>
      tpu.wait_dma2 semaphore(%run_scoped3A : memref<!tpu.dma_semaphore, #tpu.memory_space<semaphore_mem>>) src(%dma_wait3A_185 : memref<3200x32xf32, #tpu.memory_space<vmem_shared>>) dst(%dma_wait3A_183 : memref<3200x32xf32, #tpu.memory_space<hbm>>)
      tpu.yield
    }) : () -> ()
    return
  }
}

module attributes {stable_mosaic.version = 14 : i64} {
  func.func @_enc_body(%arg0: i32, %arg1: memref<1000x256xf32, #tpu.memory_space<vmem>>, %arg2: memref<256x256xf32, #tpu.memory_space<vmem>>, %arg3: memref<1x256xf32, #tpu.memory_space<vmem>>, %arg4: memref<256x64xf32, #tpu.memory_space<vmem>>, %arg5: memref<1x64xf32, #tpu.memory_space<vmem>>, %arg6: memref<1000x64xf32, #tpu.memory_space<vmem>>) attributes {dimension_semantics = [#tpu.dimension_semantics<arbitrary>], iteration_bounds = array<i64: 10>, scalar_prefetch = 0 : i64, scratch_operands = 0 : i64, tpu.core_type = #tpu.core_type<tc>, window_params = [{transform_indices = @transform_0, window_bounds = array<i64: 1000, 256>}, {pipeline_mode = #tpu.pipeline_mode<synchronous>, transform_indices = @transform_1, window_bounds = array<i64: 256, 256>}, {pipeline_mode = #tpu.pipeline_mode<synchronous>, transform_indices = @transform_2, window_bounds = array<i64: 1, 256>}, {pipeline_mode = #tpu.pipeline_mode<synchronous>, transform_indices = @transform_3, window_bounds = array<i64: 256, 64>}, {pipeline_mode = #tpu.pipeline_mode<synchronous>, transform_indices = @transform_4, window_bounds = array<i64: 1, 64>}, {transform_indices = @transform_5, window_bounds = array<i64: 1000, 64>}]} {
    %get3A = arith.constant 0 : index
    %get3A_0 = arith.constant 0 : index
    %get3A_1 = vector.load %arg1[%get3A, %get3A_0] : memref<1000x256xf32, #tpu.memory_space<vmem>>, vector<1000x256xf32>
    %get3A_2 = arith.constant 0 : index
    %get3A_3 = arith.constant 0 : index
    %get3A_4 = vector.load %arg2[%get3A_2, %get3A_3] : memref<256x256xf32, #tpu.memory_space<vmem>>, vector<256x256xf32>
    %dot_general3A = arith.constant dense<0.000000e+00> : vector<1000x256xf32>
    %dot_general3A_5 = tpu.matmul %get3A_1, %get3A_4, %dot_general3A {dimension_numbers = #tpu.dot_dimension_numbers<[1], [0], [0], [1], [0, 0, 1, 1], [], []>, transpose_lhs_hint = false} : vector<1000x256xf32>, vector<256x256xf32>, vector<1000x256xf32> -> vector<1000x256xf32>
    %get3A_6 = arith.constant 0 : index
    %get3A_7 = arith.constant 0 : index
    %get3A_8 = vector.load %arg3[%get3A_6, %get3A_7] : memref<1x256xf32, #tpu.memory_space<vmem>>, vector<1x256xf32>
    %add3A = vector.broadcast %get3A_8 : vector<1x256xf32> to vector<1000x256xf32>
    %add3A_9 = arith.addf %dot_general3A_5, %add3A : vector<1000x256xf32>
    %max3A = arith.constant 0.000000e+00 : f32
    %max3A_10 = vector.broadcast %max3A : f32 to vector<1000x256xf32>
    %max3A_11 = arith.maximumf %add3A_9, %max3A_10 : vector<1000x256xf32>
    %get3A_12 = arith.constant 0 : index
    %get3A_13 = arith.constant 0 : index
    %get3A_14 = vector.load %arg4[%get3A_12, %get3A_13] : memref<256x64xf32, #tpu.memory_space<vmem>>, vector<256x64xf32>
    %dot_general3A_15 = arith.constant dense<0.000000e+00> : vector<1000x64xf32>
    %dot_general3A_16 = tpu.matmul %max3A_11, %get3A_14, %dot_general3A_15 {dimension_numbers = #tpu.dot_dimension_numbers<[1], [0], [0], [1], [0, 0, 1, 1], [], []>, transpose_lhs_hint = false} : vector<1000x256xf32>, vector<256x64xf32>, vector<1000x64xf32> -> vector<1000x64xf32>
    %get3A_17 = arith.constant 0 : index
    %get3A_18 = arith.constant 0 : index
    %get3A_19 = vector.load %arg5[%get3A_17, %get3A_18] : memref<1x64xf32, #tpu.memory_space<vmem>>, vector<1x64xf32>
    %add3A_20 = vector.broadcast %get3A_19 : vector<1x64xf32> to vector<1000x64xf32>
    %add3A_21 = arith.addf %dot_general3A_16, %add3A_20 : vector<1000x64xf32>
    %tanh3A = math.tanh %add3A_21 : vector<1000x64xf32>
    %swap3A = arith.constant 0 : index
    %swap3A_22 = arith.constant 0 : index
    %swap3A_23 = vector.load %arg6[%swap3A, %swap3A_22] : memref<1000x64xf32, #tpu.memory_space<vmem>>, vector<1000x64xf32>
    tpu.vector_store %arg6[%swap3A, %swap3A_22], %tanh3A {strides = array<i32>} : memref<1000x64xf32, #tpu.memory_space<vmem>>, vector<1000x64xf32>,
    return
  }
  func.func @transform_0(%arg0: i32) -> (i32, i32) {
    %c0_i32 = arith.constant 0 : i32
    %c0_i32_0 = arith.constant 0 : i32
    return %arg0, %c0_i32 : i32, i32
  }
  func.func @transform_1(%arg0: i32) -> (i32, i32) {
    %c0_i32 = arith.constant 0 : i32
    %c0_i32_0 = arith.constant 0 : i32
    %c0_i32_1 = arith.constant 0 : i32
    return %c0_i32, %c0_i32_0 : i32, i32
  }
  func.func @transform_2(%arg0: i32) -> (i32, i32) {
    %c0_i32 = arith.constant 0 : i32
    %c0_i32_0 = arith.constant 0 : i32
    %c0_i32_1 = arith.constant 0 : i32
    return %c0_i32, %c0_i32_0 : i32, i32
  }
  func.func @transform_3(%arg0: i32) -> (i32, i32) {
    %c0_i32 = arith.constant 0 : i32
    %c0_i32_0 = arith.constant 0 : i32
    %c0_i32_1 = arith.constant 0 : i32
    return %c0_i32, %c0_i32_0 : i32, i32
  }
  func.func @transform_4(%arg0: i32) -> (i32, i32) {
    %c0_i32 = arith.constant 0 : i32
    %c0_i32_0 = arith.constant 0 : i32
    %c0_i32_1 = arith.constant 0 : i32
    return %c0_i32, %c0_i32_0 : i32, i32
  }
  func.func @transform_5(%arg0: i32) -> (i32, i32) {
    %c0_i32 = arith.constant 0 : i32
    %c0_i32_0 = arith.constant 0 : i32
    return %arg0, %c0_i32 : i32, i32
  }
}

module attributes {stable_mosaic.version = 14 : i64} {
  func.func @_enc_body(%arg0: i32, %arg1: memref<1000x256xf32, #tpu.memory_space<vmem>>, %arg2: memref<256x256xf32, #tpu.memory_space<vmem>>, %arg3: memref<1x256xf32, #tpu.memory_space<vmem>>, %arg4: memref<256x64xf32, #tpu.memory_space<vmem>>, %arg5: memref<1x64xf32, #tpu.memory_space<vmem>>, %arg6: memref<1000x64xf32, #tpu.memory_space<vmem>>) attributes {dimension_semantics = [#tpu.dimension_semantics<arbitrary>], iteration_bounds = array<i64: 20>, scalar_prefetch = 0 : i64, scratch_operands = 0 : i64, tpu.core_type = #tpu.core_type<tc>, window_params = [{transform_indices = @transform_0, window_bounds = array<i64: 1000, 256>}, {pipeline_mode = #tpu.pipeline_mode<synchronous>, transform_indices = @transform_1, window_bounds = array<i64: 256, 256>}, {pipeline_mode = #tpu.pipeline_mode<synchronous>, transform_indices = @transform_2, window_bounds = array<i64: 1, 256>}, {pipeline_mode = #tpu.pipeline_mode<synchronous>, transform_indices = @transform_3, window_bounds = array<i64: 256, 64>}, {pipeline_mode = #tpu.pipeline_mode<synchronous>, transform_indices = @transform_4, window_bounds = array<i64: 1, 64>}, {transform_indices = @transform_5, window_bounds = array<i64: 1000, 64>}]} {
    %get3A = arith.constant 0 : index
    %get3A_0 = arith.constant 0 : index
    %get3A_1 = vector.load %arg1[%get3A, %get3A_0] : memref<1000x256xf32, #tpu.memory_space<vmem>>, vector<1000x256xf32>
    %get3A_2 = arith.constant 0 : index
    %get3A_3 = arith.constant 0 : index
    %get3A_4 = vector.load %arg2[%get3A_2, %get3A_3] : memref<256x256xf32, #tpu.memory_space<vmem>>, vector<256x256xf32>
    %dot_general3A = arith.constant dense<0.000000e+00> : vector<1000x256xf32>
    %dot_general3A_5 = tpu.matmul %get3A_1, %get3A_4, %dot_general3A {dimension_numbers = #tpu.dot_dimension_numbers<[1], [0], [0], [1], [0, 0, 1, 1], [], []>, transpose_lhs_hint = false} : vector<1000x256xf32>, vector<256x256xf32>, vector<1000x256xf32> -> vector<1000x256xf32>
    %get3A_6 = arith.constant 0 : index
    %get3A_7 = arith.constant 0 : index
    %get3A_8 = vector.load %arg3[%get3A_6, %get3A_7] : memref<1x256xf32, #tpu.memory_space<vmem>>, vector<1x256xf32>
    %add3A = vector.broadcast %get3A_8 : vector<1x256xf32> to vector<1000x256xf32>
    %add3A_9 = arith.addf %dot_general3A_5, %add3A : vector<1000x256xf32>
    %max3A = arith.constant 0.000000e+00 : f32
    %max3A_10 = vector.broadcast %max3A : f32 to vector<1000x256xf32>
    %max3A_11 = arith.maximumf %add3A_9, %max3A_10 : vector<1000x256xf32>
    %get3A_12 = arith.constant 0 : index
    %get3A_13 = arith.constant 0 : index
    %get3A_14 = vector.load %arg4[%get3A_12, %get3A_13] : memref<256x64xf32, #tpu.memory_space<vmem>>, vector<256x64xf32>
    %dot_general3A_15 = arith.constant dense<0.000000e+00> : vector<1000x64xf32>
    %dot_general3A_16 = tpu.matmul %max3A_11, %get3A_14, %dot_general3A_15 {dimension_numbers = #tpu.dot_dimension_numbers<[1], [0], [0], [1], [0, 0, 1, 1], [], []>, transpose_lhs_hint = false} : vector<1000x256xf32>, vector<256x64xf32>, vector<1000x64xf32> -> vector<1000x64xf32>
    %get3A_17 = arith.constant 0 : index
    %get3A_18 = arith.constant 0 : index
    %get3A_19 = vector.load %arg5[%get3A_17, %get3A_18] : memref<1x64xf32, #tpu.memory_space<vmem>>, vector<1x64xf32>
    %add3A_20 = vector.broadcast %get3A_19 : vector<1x64xf32> to vector<1000x64xf32>
    %add3A_21 = arith.addf %dot_general3A_16, %add3A_20 : vector<1000x64xf32>
    %tanh3A = math.tanh %add3A_21 : vector<1000x64xf32>
    %swap3A = arith.constant 0 : index
    %swap3A_22 = arith.constant 0 : index
    %swap3A_23 = vector.load %arg6[%swap3A, %swap3A_22] : memref<1000x64xf32, #tpu.memory_space<vmem>>, vector<1000x64xf32>
    tpu.vector_store %arg6[%swap3A, %swap3A_22], %tanh3A {strides = array<i32>} : memref<1000x64xf32, #tpu.memory_space<vmem>>, vector<1000x64xf32>,
    return
  }
  func.func @transform_0(%arg0: i32) -> (i32, i32) {
    %c0_i32 = arith.constant 0 : i32
    %c0_i32_0 = arith.constant 0 : i32
    return %arg0, %c0_i32 : i32, i32
  }
  func.func @transform_1(%arg0: i32) -> (i32, i32) {
    %c0_i32 = arith.constant 0 : i32
    %c0_i32_0 = arith.constant 0 : i32
    %c0_i32_1 = arith.constant 0 : i32
    return %c0_i32, %c0_i32_0 : i32, i32
  }
  func.func @transform_2(%arg0: i32) -> (i32, i32) {
    %c0_i32 = arith.constant 0 : i32
    %c0_i32_0 = arith.constant 0 : i32
    %c0_i32_1 = arith.constant 0 : i32
    return %c0_i32, %c0_i32_0 : i32, i32
  }
  func.func @transform_3(%arg0: i32) -> (i32, i32) {
    %c0_i32 = arith.constant 0 : i32
    %c0_i32_0 = arith.constant 0 : i32
    %c0_i32_1 = arith.constant 0 : i32
    return %c0_i32, %c0_i32_0 : i32, i32
  }
  func.func @transform_4(%arg0: i32) -> (i32, i32) {
    %c0_i32 = arith.constant 0 : i32
    %c0_i32_0 = arith.constant 0 : i32
    %c0_i32_1 = arith.constant 0 : i32
    return %c0_i32, %c0_i32_0 : i32, i32
  }
  func.func @transform_5(%arg0: i32) -> (i32, i32) {
    %c0_i32 = arith.constant 0 : i32
    %c0_i32_0 = arith.constant 0 : i32
    return %arg0, %c0_i32 : i32, i32
  }
}

module attributes {stable_mosaic.version = 14 : i64} {
  func.func @_ytab_body(%arg0: i32, %arg1: memref<1000x64xf32, #tpu.memory_space<vmem>>, %arg2: memref<64x256xf32, #tpu.memory_space<vmem>>, %arg3: memref<1x256xf32, #tpu.memory_space<vmem>>, %arg4: memref<2x1000x128xf32, #tpu.memory_space<vmem>>) attributes {dimension_semantics = [#tpu.dimension_semantics<arbitrary>], iteration_bounds = array<i64: 50>, scalar_prefetch = 0 : i64, scratch_operands = 0 : i64, tpu.core_type = #tpu.core_type<tc>, window_params = [{transform_indices = @transform_0, window_bounds = array<i64: 1000, 64>}, {pipeline_mode = #tpu.pipeline_mode<synchronous>, transform_indices = @transform_1, window_bounds = array<i64: 64, 256>}, {pipeline_mode = #tpu.pipeline_mode<synchronous>, transform_indices = @transform_2, window_bounds = array<i64: 1, 256>}, {transform_indices = @transform_3, window_bounds = array<i64: 2, 1000, 128>}]} {
    %get3A = arith.constant 0 : index
    %get3A_0 = arith.constant 0 : index
    %get3A_1 = vector.load %arg1[%get3A, %get3A_0] : memref<1000x64xf32, #tpu.memory_space<vmem>>, vector<1000x64xf32>
    %get3A_2 = arith.constant 0 : index
    %get3A_3 = arith.constant 0 : index
    %get3A_4 = vector.load %arg2[%get3A_2, %get3A_3] : memref<64x256xf32, #tpu.memory_space<vmem>>, vector<64x256xf32>
    %dot_general3A = arith.constant dense<0.000000e+00> : vector<1000x256xf32>
    %dot_general3A_5 = tpu.matmul %get3A_1, %get3A_4, %dot_general3A {dimension_numbers = #tpu.dot_dimension_numbers<[1], [0], [0], [1], [0, 0, 1, 1], [], []>, transpose_lhs_hint = false} : vector<1000x64xf32>, vector<64x256xf32>, vector<1000x256xf32> -> vector<1000x256xf32>
    %get3A_6 = arith.constant 0 : index
    %get3A_7 = arith.constant 0 : index
    %get3A_8 = vector.load %arg3[%get3A_6, %get3A_7] : memref<1x256xf32, #tpu.memory_space<vmem>>, vector<1x256xf32>
    %add3A = vector.broadcast %get3A_8 : vector<1x256xf32> to vector<1000x256xf32>
    %add3A_9 = arith.addf %dot_general3A_5, %add3A : vector<1000x256xf32>
    %slice3A = vector.extract_strided_slice %add3A_9 {offsets = [0, 0], sizes = [1000, 128], strides = [1, 1]} : vector<1000x256xf32> to vector<1000x128xf32>
    %swap3A = arith.constant 0 : index
    %swap3A_10 = arith.constant 0 : index
    %swap3A_11 = arith.constant 0 : index
    %swap3A_12 = vector.load %arg4[%swap3A, %swap3A_10, %swap3A_11] : memref<2x1000x128xf32, #tpu.memory_space<vmem>>, vector<1x1000x128xf32>
    %swap3A_13 = vector.shape_cast %swap3A_12 : vector<1x1000x128xf32> to vector<1000x128xf32>
    %swap3A_14 = vector.shape_cast %slice3A : vector<1000x128xf32> to vector<1x1000x128xf32>
    tpu.vector_store %arg4[%swap3A, %swap3A_10, %swap3A_11], %swap3A_14 {strides = array<i32>} : memref<2x1000x128xf32, #tpu.memory_space<vmem>>, vector<1x1000x128xf32>,
    %slice3A_15 = vector.extract_strided_slice %add3A_9 {offsets = [0, 128], sizes = [1000, 128], strides = [1, 1]} : vector<1000x256xf32> to vector<1000x128xf32>
    %swap3A_16 = arith.constant 1 : index
    %swap3A_17 = arith.constant 0 : index
    %swap3A_18 = arith.constant 0 : index
    %swap3A_19 = vector.load %arg4[%swap3A_16, %swap3A_17, %swap3A_18] : memref<2x1000x128xf32, #tpu.memory_space<vmem>>, vector<1x1000x128xf32>
    %swap3A_20 = vector.shape_cast %swap3A_19 : vector<1x1000x128xf32> to vector<1000x128xf32>
    %swap3A_21 = vector.shape_cast %slice3A_15 : vector<1000x128xf32> to vector<1x1000x128xf32>
    tpu.vector_store %arg4[%swap3A_16, %swap3A_17, %swap3A_18], %swap3A_21 {strides = array<i32>} : memref<2x1000x128xf32, #tpu.memory_space<vmem>>, vector<1x1000x128xf32>,
    return
  }
  func.func @transform_0(%arg0: i32) -> (i32, i32) {
    %c0_i32 = arith.constant 0 : i32
    %c0_i32_0 = arith.constant 0 : i32
    return %arg0, %c0_i32 : i32, i32
  }
  func.func @transform_1(%arg0: i32) -> (i32, i32) {
    %c0_i32 = arith.constant 0 : i32
    %c0_i32_0 = arith.constant 0 : i32
    %c0_i32_1 = arith.constant 0 : i32
    return %c0_i32, %c0_i32_0 : i32, i32
  }
  func.func @transform_2(%arg0: i32) -> (i32, i32) {
    %c0_i32 = arith.constant 0 : i32
    %c0_i32_0 = arith.constant 0 : i32
    %c0_i32_1 = arith.constant 0 : i32
    return %c0_i32, %c0_i32_0 : i32, i32
  }
  func.func @transform_3(%arg0: i32) -> (i32, i32, i32) {
    %c0_i32 = arith.constant 0 : i32
    %c0_i32_0 = arith.constant 0 : i32
    %c0_i32_1 = arith.constant 0 : i32
    return %c0_i32, %arg0, %c0_i32_0 : i32, i32, i32
  }
}

module attributes {stable_mosaic.version = 14 : i64} {
  func.func @_combine_body(%arg0: i32, %arg1: memref<2x1000x32xf32, #tpu.memory_space<vmem>>, %arg2: memref<1000x1xf32, #tpu.memory_space<vmem>>, %arg3: memref<1000x64xf32, #tpu.memory_space<vmem>>, %arg4: memref<1x64xf32, #tpu.memory_space<vmem>>, %arg5: memref<1x64xf32, #tpu.memory_space<vmem>>, %arg6: memref<1000x64xf32, #tpu.memory_space<vmem>>) attributes {dimension_semantics = [#tpu.dimension_semantics<arbitrary>], iteration_bounds = array<i64: 50>, scalar_prefetch = 0 : i64, scratch_operands = 0 : i64, tpu.core_type = #tpu.core_type<tc>, window_params = [{transform_indices = @transform_0, window_bounds = array<i64: 2, 1000, 32>}, {transform_indices = @transform_1, window_bounds = array<i64: 1000, 1>}, {transform_indices = @transform_2, window_bounds = array<i64: 1000, 64>}, {pipeline_mode = #tpu.pipeline_mode<synchronous>, transform_indices = @transform_3, window_bounds = array<i64: 1, 64>}, {pipeline_mode = #tpu.pipeline_mode<synchronous>, transform_indices = @transform_4, window_bounds = array<i64: 1, 64>}, {transform_indices = @transform_5, window_bounds = array<i64: 1000, 64>}]} {
    %get3A = arith.constant 0 : index
    %get3A_0 = arith.constant 0 : index
    %get3A_1 = arith.constant 0 : index
    %get3A_2 = vector.load %arg1[%get3A, %get3A_0, %get3A_1] : memref<2x1000x32xf32, #tpu.memory_space<vmem>>, vector<1x1000x32xf32>
    %get3A_3 = vector.shape_cast %get3A_2 : vector<1x1000x32xf32> to vector<1000x32xf32>
    %get3A_4 = arith.constant 1 : index
    %get3A_5 = arith.constant 0 : index
    %get3A_6 = arith.constant 0 : index
    %get3A_7 = vector.load %arg1[%get3A_4, %get3A_5, %get3A_6] : memref<2x1000x32xf32, #tpu.memory_space<vmem>>, vector<1x1000x32xf32>
    %get3A_8 = vector.shape_cast %get3A_7 : vector<1x1000x32xf32> to vector<1000x32xf32>
    %concatenate3A = tpu.concatenate %get3A_3, %get3A_8 in 1 : vector<1000x32xf32>, vector<1000x32xf32> -> vector<1000x64xf32>
    %get3A_9 = arith.constant 0 : index
    %get3A_10 = arith.constant 0 : index
    %get3A_11 = vector.load %arg2[%get3A_9, %get3A_10] : memref<1000x1xf32, #tpu.memory_space<vmem>>, vector<1000x1xf32>
    %max3A = arith.constant 1.000000e+00 : f32
    %max3A_12 = vector.broadcast %max3A : f32 to vector<1000x1xf32>
    %max3A_13 = arith.maximumf %get3A_11, %max3A_12 : vector<1000x1xf32>
    %div3A = vector.broadcast %max3A_13 : vector<1000x1xf32> to vector<1000x64xf32>
    %div3A_14 = arith.divf %concatenate3A, %div3A : vector<1000x64xf32>
    %integer_pow3A = arith.mulf %div3A_14, %div3A_14 : vector<1000x64xf32>
    %integer_pow3A_15 = arith.mulf %div3A_14, %integer_pow3A : vector<1000x64xf32>
    %mul3A = arith.constant 4.471500e-02 : f32
    %mul3A_16 = vector.broadcast %mul3A : f32 to vector<1000x64xf32>
    %mul3A_17 = arith.mulf %mul3A_16, %integer_pow3A_15 : vector<1000x64xf32>
    %add3A = arith.addf %div3A_14, %mul3A_17 : vector<1000x64xf32>
    %mul3A_18 = arith.constant 0.797884583 : f32
    %mul3A_19 = vector.broadcast %mul3A_18 : f32 to vector<1000x64xf32>
    %mul3A_20 = arith.mulf %mul3A_19, %add3A : vector<1000x64xf32>
    %tanh3A = math.tanh %mul3A_20 : vector<1000x64xf32>
    %add3A_21 = arith.constant 1.000000e+00 : f32
    %add3A_22 = vector.broadcast %add3A_21 : f32 to vector<1000x64xf32>
    %add3A_23 = arith.addf %add3A_22, %tanh3A : vector<1000x64xf32>
    %mul3A_24 = arith.constant 5.000000e-01 : f32
    %mul3A_25 = vector.broadcast %mul3A_24 : f32 to vector<1000x64xf32>
    %mul3A_26 = arith.mulf %mul3A_25, %add3A_23 : vector<1000x64xf32>
    %mul3A_27 = arith.mulf %div3A_14, %mul3A_26 : vector<1000x64xf32>
    %get3A_28 = arith.constant 0 : index
    %get3A_29 = arith.constant 0 : index
    %get3A_30 = vector.load %arg3[%get3A_28, %get3A_29] : memref<1000x64xf32, #tpu.memory_space<vmem>>, vector<1000x64xf32>
    %add3A_31 = arith.addf %mul3A_27, %get3A_30 : vector<1000x64xf32>
    %reduce_sum3A = arith.constant dense<0.000000e+00> : vector<1000xf32>
    %reduce_sum3A_32 = vector.multi_reduction <add>, %add3A_31, %reduce_sum3A [1] : vector<1000x64xf32> to vector<1000xf32>
    %broadcast_in_dim3A = vector.shape_cast %reduce_sum3A_32 : vector<1000xf32> to vector<1000x1xf32>
    %div3A_33 = arith.constant 6.400000e+01 : f32
    %div3A_34 = vector.broadcast %div3A_33 : f32 to vector<1000x1xf32>
    %div3A_35 = arith.divf %broadcast_in_dim3A, %div3A_34 : vector<1000x1xf32>
    %sub3A = vector.broadcast %div3A_35 : vector<1000x1xf32> to vector<1000x64xf32>
    %sub3A_36 = arith.subf %add3A_31, %sub3A : vector<1000x64xf32>
    %integer_pow3A_37 = arith.mulf %sub3A_36, %sub3A_36 : vector<1000x64xf32>
    %reduce_sum3A_38 = arith.constant dense<0.000000e+00> : vector<1000xf32>
    %reduce_sum3A_39 = vector.multi_reduction <add>, %integer_pow3A_37, %reduce_sum3A_38 [1] : vector<1000x64xf32> to vector<1000xf32>
    %broadcast_in_dim3A_40 = vector.shape_cast %reduce_sum3A_39 : vector<1000xf32> to vector<1000x1xf32>
    %div3A_41 = arith.constant 6.400000e+01 : f32
    %div3A_42 = vector.broadcast %div3A_41 : f32 to vector<1000x1xf32>
    %div3A_43 = arith.divf %broadcast_in_dim3A_40, %div3A_42 : vector<1000x1xf32>
    %sub3A_44 = vector.broadcast %div3A_35 : vector<1000x1xf32> to vector<1000x64xf32>
    %sub3A_45 = arith.subf %add3A_31, %sub3A_44 : vector<1000x64xf32>
    %add3A_46 = arith.constant 9.99999974E-6 : f32
    %add3A_47 = vector.broadcast %add3A_46 : f32 to vector<1000x1xf32>
    %add3A_48 = arith.addf %div3A_43, %add3A_47 : vector<1000x1xf32>
    %rsqrt3A = math.rsqrt %add3A_48 : vector<1000x1xf32>
    %mul3A_49 = vector.broadcast %rsqrt3A : vector<1000x1xf32> to vector<1000x64xf32>
    %mul3A_50 = arith.mulf %sub3A_45, %mul3A_49 : vector<1000x64xf32>
    %get3A_51 = arith.constant 0 : index
    %get3A_52 = arith.constant 0 : index
    %get3A_53 = vector.load %arg4[%get3A_51, %get3A_52] : memref<1x64xf32, #tpu.memory_space<vmem>>, vector<1x64xf32>
    %mul3A_54 = vector.broadcast %get3A_53 : vector<1x64xf32> to vector<1000x64xf32>
    %mul3A_55 = arith.mulf %mul3A_50, %mul3A_54 : vector<1000x64xf32>
    %get3A_56 = arith.constant 0 : index
    %get3A_57 = arith.constant 0 : index
    %get3A_58 = vector.load %arg5[%get3A_56, %get3A_57] : memref<1x64xf32, #tpu.memory_space<vmem>>, vector<1x64xf32>
    %add3A_59 = vector.broadcast %get3A_58 : vector<1x64xf32> to vector<1000x64xf32>
    %add3A_60 = arith.addf %mul3A_55, %add3A_59 : vector<1000x64xf32>
    %swap3A = arith.constant 0 : index
    %swap3A_61 = arith.constant 0 : index
    %swap3A_62 = vector.load %arg6[%swap3A, %swap3A_61] : memref<1000x64xf32, #tpu.memory_space<vmem>>, vector<1000x64xf32>
    tpu.vector_store %arg6[%swap3A, %swap3A_61], %add3A_60 {strides = array<i32>} : memref<1000x64xf32, #tpu.memory_space<vmem>>, vector<1000x64xf32>,
    return
  }
  func.func @transform_0(%arg0: i32) -> (i32, i32, i32) {
    %c0_i32 = arith.constant 0 : i32
    %c0_i32_0 = arith.constant 0 : i32
    %c0_i32_1 = arith.constant 0 : i32
    return %c0_i32, %arg0, %c0_i32_0 : i32, i32, i32
  }
  func.func @transform_1(%arg0: i32) -> (i32, i32) {
    %c0_i32 = arith.constant 0 : i32
    %c0_i32_0 = arith.constant 0 : i32
    return %arg0, %c0_i32 : i32, i32
  }
  func.func @transform_2(%arg0: i32) -> (i32, i32) {
    %c0_i32 = arith.constant 0 : i32
    %c0_i32_0 = arith.constant 0 : i32
    return %arg0, %c0_i32 : i32, i32
  }
  func.func @transform_3(%arg0: i32) -> (i32, i32) {
    %c0_i32 = arith.constant 0 : i32
    %c0_i32_0 = arith.constant 0 : i32
    %c0_i32_1 = arith.constant 0 : i32
    return %c0_i32, %c0_i32_0 : i32, i32
  }
  func.func @transform_4(%arg0: i32) -> (i32, i32) {
    %c0_i32 = arith.constant 0 : i32
    %c0_i32_0 = arith.constant 0 : i32
    %c0_i32_1 = arith.constant 0 : i32
    return %c0_i32, %c0_i32_0 : i32, i32
  }
  func.func @transform_5(%arg0: i32) -> (i32, i32) {
    %c0_i32 = arith.constant 0 : i32
    %c0_i32_0 = arith.constant 0 : i32
    return %arg0, %c0_i32 : i32, i32
  }
}

</mosaic_0001>

<sc_bundles>
// kernel: kernel.11.cloned.1.call-start
scs
__scs_entry_jumppad:
0x0: {  	(pc) =	sbr.rel $0x88, $3  }
0x1: {  	(tag) =	ssettag $0x0;
	lr =	simm.s32 $0x1  }
0x2: {  	[smem:$0x3F94] =	sst lr;
	_ =	strace $0xD0000000  }
0x3: {  	_ = 	snop  }
0x4: {  	_ = 	snop  }
0x5: {  	_ = 	snop  }
0x6: {  	_ = 	snop  }
0x7: {  	_ = 	snop  }
__scs_overlays_trampoline_lowered:
0x8: {  	[smem:$0x3FA3] =	sst s0  }
0x9: {  	[smem:$0x3FA4] =	sst s1  }
0xa: {  	[smem:$0x3FA5] =	sst s2  }
0xb: {  	[smem:$0x3FA6] =	sst s3  }
0xc: {  	[smem:$0x3FA7] =	sst s4  }
0xd: {  	[smem:$0x3FA8] =	sst s5  }
0xe: {  	[smem:$0x3FA9] =	sst s6  }
0xf: {  	[smem:$0x3FAA] =	sst s7  }
0x10: {  	[smem:$0x3FAB] =	sst s8  }
0x11: {  	[smem:$0x3FAC] =	sst s9;
	s0 =	simm.s32 @!p0 $0x0  }
0x12: {  	s1 =	sld [smem:$0x3F92];
	s0 =	simm.s32 @p0 $0x1  }
0x13: {  	[smem:$0x3FAD] =	sst s0;
	s0 =	simm.s32 @!p1 $0x0  }
0x14: {  	s2 =	sld [smem:$0x3F91];
	s0 =	simm.s32 @p1 $0x1  }
0x15: {  	[smem:$0x3FAE] =	sst s0;
	s0 =	simm.s32 @!p2 $0x0  }
0x16: {  	s3 =	sld [smem:$0x3FDB];
	s0 =	simm.s32 @p2 $0x1  }
0x17: {  	s4 =	simm.s32 $0x1BF5;
	[smem:$0x3FB0] =	sst s0  }
0x18: {  	s0 =	sld [smem:$0x3F93];
	_ =	swait.ge [sflag:s4], $0x0  }
0x19: {  	s7 =	sld [smem:$0x3F94]  }
0x1a: {  	s8 =	sadd.s32 $0xFFFFE003, lr  }
0x1b: {  	s9 =	sadd.s32 $0xFFFFFEF7, lr;
	s5 =	simm.s32 $0xFFFFFFFF;
	p2 =	slt.u32 s8, $0xFFFFF086  }
0x1c: {  	p1 =	slt.u32 s9, $0xF7A;
	s5 =	simm.s32 @!p2 $0x0  }
0x1d: {  	s5 =	simm.s32 @p1 $0x1;
	p0 =	seq.s32 s7, s2  }
0x1e: {  	s7 =	smul.u32 @!p0 $0xF7A, s2;
	p2 =	seq.s32 @!p0 s5, $0x0  }
0x1f: {  	s9 =	smul.u32 $0xF7A, s1;
	s8 =	simm.s32 @!p0 $0x1BF5;
	p2 =	por !p2, p0  }
0x20: {  	[sflag:s8] =	ssyncset.s32 @!p0 $0xFFFFF086;
	s6 =	sadd.s32 @!p0 s3, s7;
	s7 =	simm.s32 @!p0 $0x108  }
0x21: {  	s3 =	sadd.s32 s3, s9;
	s6 =	sadd.s32 @!p0 $0x88, s6;
	s7 =	simm.s32 @p2 $0x1082  }
0x22: {  	[simem:s7], [sflag:s8] =	dma.local @!p0 [hbm:s6], $0xF7A  }
0x23: {  	s9 =	sor.u32 $0xD0000000, s2;
	s6 =	simm.s32 $0x108;
	_ =	swait.ge @!p0 [sflag:s8], $0x0  }
0x24: {  	s3 =	sadd.s32 $0x88, s3;
	s6 =	simm.s32 @!p1 $0x1082;
	[sflag:s4] =	ssyncset.s32 $0xFFFFF086  }
0x25: {  	[simem:s6], [sflag:s4] =	dma.local [hbm:s3], $0xF7A  }
0x26: {  	[smem:$0x3F94] =	sst s1;
	(tag) =	ssettag s2;
	_ =	strace s9  }
0x27: {  	s1 =	sld [smem:$0x3FA4]  }
0x28: {  	s2 =	sld [smem:$0x3FA5]  }
0x29: {  	s4 =	sld [smem:$0x3FA7]  }
0x2a: {  	p0 =	seq.s32 s5, $0x0;
	s5 =	sld [smem:$0x3FA8]  }
0x2b: {  	s6 =	sld [smem:$0x3FA9]  }
0x2c: {  	s7 =	sld [smem:$0x3FAA]  }
0x2d: {  	s3 =	simm.s32 $0x108;
	s8 =	sld [smem:$0x3FAB]  }
0x2e: {  	s3 =	simm.s32 @!p0 $0x1082;
	s9 =	sld [smem:$0x3FAC]  }
0x2f: {  	lr =	sadd.s32 s0, s3;
	s0 =	sld [smem:$0x3FA3]  }
0x30: {  	s3 =	sld [smem:$0x3FA6]  }
0x31: {  	[smem:$0x3FAF] =	sst s10  }
0x32: {  	s10 =	sld [smem:$0x3FAD];
	_ =	sdelay $0x3  }
0x33: {  	p0 =	seq.s32 s10, $0x1;
	s10 =	sld [smem:$0x3FAF];
	_ =	sdelay $0x3  }
0x34: {  	[smem:$0x3FAF] =	sst s10  }
0x35: {  	s10 =	sld [smem:$0x3FAE];
	_ =	sdelay $0x3  }
0x36: {  	p1 =	seq.s32 s10, $0x1;
	s10 =	sld [smem:$0x3FAF];
	_ =	sdelay $0x3  }
0x37: {  	[smem:$0x3FAF] =	sst s10  }
0x38: {  	s10 =	sld [smem:$0x3FB0]  }
0x39: {  	_ = 	snop;
	(pc) =	sbr.ind lr, $3  }
0x3a: {  	_ = 	snop  }
0x3b: {  	_ = 	snop  }
0x3c: {  	p2 =	seq.s32 s10, $0x1;
	s10 =	sld [smem:$0x3FAF]  }
0x3d: {  	_ =	shalt  }
0x3e: {  	_ =	shalt  }
0x3f: {  	_ =	shalt  }
0x40: {  	_ =	shalt  }
0x41: {  	_ =	shalt  }
0x42: {  	_ =	shalt  }
0x43: {  	_ =	shalt  }
0x44: {  	_ =	shalt  }
0x45: {  	_ =	shalt  }
0x46: {  	_ =	shalt  }
0x47: {  	_ =	shalt  }
0x48: {  	_ =	shalt  }
0x49: {  	_ =	shalt  }
0x4a: {  	_ =	shalt  }
0x4b: {  	_ =	shalt  }
0x4c: {  	_ =	shalt  }
0x4d: {  	_ =	shalt  }
0x4e: {  	_ =	shalt  }
0x4f: {  	_ =	shalt  }
0x50: {  	_ =	shalt  }
0x51: {  	_ =	shalt  }
0x52: {  	_ =	shalt  }
0x53: {  	_ =	shalt  }
0x54: {  	_ =	shalt  }
0x55: {  	_ =	shalt  }
0x56: {  	_ =	shalt  }
0x57: {  	_ =	shalt  }
0x58: {  	_ =	shalt  }
0x59: {  	_ =	shalt  }
0x5a: {  	_ =	shalt  }
0x5b: {  	_ =	shalt  }
0x5c: {  	_ =	shalt  }
0x5d: {  	_ =	shalt  }
0x5e: {  	_ =	shalt  }
0x5f: {  	_ =	shalt  }
0x60: {  	_ =	shalt  }
0x61: {  	_ =	shalt  }
0x62: {  	_ =	shalt  }
0x63: {  	_ =	shalt  }
0x64: {  	_ =	shalt  }
0x65: {  	_ =	shalt  }
0x66: {  	_ =	shalt  }
0x67: {  	_ =	shalt  }
0x68: {  	_ =	shalt  }
0x69: {  	_ =	shalt  }
0x6a: {  	_ =	shalt  }
0x6b: {  	_ =	shalt  }
0x6c: {  	_ =	shalt  }
0x6d: {  	_ =	shalt  }
0x6e: {  	_ =	shalt  }
0x6f: {  	_ =	shalt  }
0x70: {  	_ =	shalt  }
0x71: {  	_ =	shalt  }
0x72: {  	_ =	shalt  }
0x73: {  	_ =	shalt  }
0x74: {  	_ =	shalt  }
0x75: {  	_ =	shalt  }
0x76: {  	_ =	shalt  }
0x77: {  	_ =	shalt  }
0x78: {  	_ =	shalt  }
0x79: {  	_ =	shalt  }
0x7a: {  	_ =	shalt  }
0x7b: {  	_ =	shalt  }
0x7c: {  	_ =	shalt  }
0x7d: {  	_ =	shalt  }
0x7e: {  	_ =	shalt  }
0x7f: {  	_ =	shalt  }
0x80: {  	_ =	shalt  }
0x81: {  	_ =	shalt  }
0x82: {  	_ =	shalt  }
0x83: {  	_ =	shalt  }
0x84: {  	_ =	shalt  }
0x85: {  	_ =	shalt  }
0x86: {  	_ =	shalt  }
0x87: {  	_ =	shalt  }
.Lfunc_end0:
.L_simem_size_0:
called_computation_lowered:
.L_overlay_start_0:
0x88: {  	s2 =	sld [smem:$0x3FD9]  }
0x89: {  	s3 =	sld [smem:$0x3FFE];
	_ =	sdelay $0x1  }
0x8a: {  	s1 =	srdreg.scid  }
0x8b: {  	s0 =	sand.u32 $0x1, s1  }
0x8c: {  	s17 =	sshll.u32 s0, $0xA;
	s2 =	sadd.s32 s3, s2  }
0x8d: {  	s2 =	sadd.s32 s2, s17  }
0x8e: {  	[smem:$0x3FBB] =	sst s2  }
0x8f: {  	_ = 	snop  }
0x90: {  	s2 =	sld [smem:$0x3FD0];
	(tm) =	ssettm $0x1  }
0x91: {  	s18 =	sld [smem:$0x3FFB];
	_ =	sdelay $0x3  }
0x92: {  	_ =	strace s18  }
0x93: {  	s3 =	sld [smem:$0x3FFC];
	_ =	sdelay $0x3  }
0x94: {  	_ =	strace s3  }
0x95: {  	s3 =	sld [smem:$0x3FFD];
	_ =	sdelay $0x3  }
0x96: {  	_ =	strace s3  }
0x97: {  	_ =	strace $0x8FFFFFFF  }
0x98: {  	s19 =	sld [smem:$0x3FDB];
	_ =	sdelay $0x1  }
0x99: {  	s4 =	simm.s32 $_scs_section_size  }
0x9a: {  	s5 =	simm.s32 $_size__tile_overlayer_lowered;
	s6 =	simm.s32 $_tile_overlayer_lowered  }
0x9b: {  	s22 =	simm.s32 $0x1BFF;
	s21 =	sshll.u32 s6, $0x1;
	s3 =	sadd.s32 s4, s19  }
0x9c: {  	s7 =	simm.s32 $0x0;
	s20 =	sshll.u32 s5, $0x1;
	s5 =	sadd.s32 s21, s3  }
0x9d: {  	[timem:s7], [sflag:s22] =	dma.local [hbm:s5], s20  }
0x9e: {  	_ =	swait.ge [sflag:s22], s20  }
0x9f: {  	s4 =	ssub.s32 $0x0, s20;
	[sflag:s22] =	ssyncset.done $0x0  }
0xa0: {  	[sflag:s22] =	ssyncadd.s32 s4;
	_ =	sdelay $0x1  }
0xa1: {  	s23 =	simm.s32 $0x1B8B  }
0xa2: {  	_ =	swait.ge [sflag:s23], $0x1  }
0xa3: {  	[sflag:s23] =	ssyncset.done $0x0  }
0xa4: {  	s25 =	simm.s32 $0x1B8E;
	s24 =	sld [smem:$0x3FFE];
	[sflag:s23] =	ssyncadd.s32 $0xFFFFFFFF  }
0xa5: {  	s26 =	simm.s32 $execute0_lowered;
	[smem:$0x3FD2] =	sst s25  }
0xa6: {  	s5 =	sshll.u32 s26, $0x1;
	_ =	strace $0x80000046;
	[dreg:$0x1] =	wrdreg $0xFFFFFFFF  }
0xa7: {  	s28 =	simm.s32 $_size_execute0_lowered;
	s3 =	sadd.s32 s3, s5;
	[dreg:$0x0] =	wrdreg $0x0  }
0xa8: {  	s5 =	sshll.u32 s28, $0x1;
	[dreg:$0x2] =	wrdreg s3  }
0xa9: {  	[dreg:$0x3] =	wrdreg s5  }
0xaa: {  	[dreg:$0x4] =	wrdreg $0xC0  }
0xab: {  	_ =	task [dreg:s7], $0x5FFFF  }
0xac: {  	[dreg:$0x1] =	wrdreg $0xFFFFFFFF  }
0xad: {  	[dreg:$0x0] =	wrdreg $0x60  }
0xae: {  	[dreg:$0x2] =	wrdreg s2  }
0xaf: {  	[dreg:$0x3] =	wrdreg s24  }
0xb0: {  	[dreg:$0x4] =	wrdreg $0x50C00  }
0xb1: {  	[dreg:$0x5] =	wrdreg $0x1E0C00  }
0xb2: {  	[dreg:$0x6] =	wrdreg $0x9  }
0xb3: {  	_ =	task.clear_ibuf [dreg:s7], $0x7FFFF;
	_ =	strace $0x90000046  }
0xb4: {  	s29 =	simm.s32 $0x9;
	_ =	strace $0x80000048  }
0xb5: {  	_ =	swait.ge [sflag:s29], $0x1  }
0xb6: {  	[sflag:s29] =	ssyncadd.s32 $0xFFFFFFFF  }
0xb7: {  	_ =	strace $0x90000048  }
0xb8: {  	_ =	sfence  }
0xb9: {  	s30 =	sld [smem:$0x0];
	_ =	sdelay $0x2  }
0xba: {  	s31 =	sshll.u32 s1, $0xD;
	s1 =	sshrl.u32 s1, $0x2  }
0xbb: {  	s3 =	sand.u32 $0x4000, s31;
	s1 =	sadd.s32 s1, s30  }
0xbc: {  	s0 =	sor.u32 s3, s0;
	s1 =	sshll.u32 s1, $0x11  }
0xbd: {  	s0 =	sor.u32 s1, s0  }
0xbe: {  	s0 =	sadd.s32 $0x8F2B, s0  }
0xbf: {  	[sflag:s0] =	ssyncadd.remote.s32 $0x1  }
0xc0: {  	_ =	sfence.sel $0xFFFF  }
0xc1: {  	[dreg:$0x0] =	wrdreg $0xFFFFFFFF;
	(pc) =	sbr.abs _section_cstart, $3  }
0xc2: {  	[dreg:$0x1] =	wrdreg $0xFFFFFFFF  }
0xc3: {  	_ =	task.clear_ibuf [dreg:s7], $0x2FFFF;
	_ =	strace $0x9FFFFFFF  }
0xc4: {  	(tm) =	ssettm $0x7FFFFFFF  }
0xc5: {  	_ =	shalt  }
tec
execute0_lowered:
.L_overlay_start_1:
0x0: {  	(tag) =	ssettag $0x1  }
0x1: {  	s0 =	rddreg [dreg:$0x0]  }
0x2: {  	s1 =	rddreg [dreg:$0x1];
	s25 =	stileid.u32  }
0x3: {  	s3 =	rddreg [dreg:$0x2];
	s14 =	smul.u32 $0x19000, s25  }
0x4: {  	s2 =	srdreg.scid;
	s15 =	smul.u32 $0xC80, s25  }
0x5: {  	s4 =	rddreg [dreg:$0x3];
	s5 =	simm.s32 $0x0;
	s11 =	smul.u32 $0x1880, s25  }
0x6: {  	s19 =	simm.s32 $0x6;
	s20 =	simm.s32 $0x5080;
	s17 =	smul.u32 $0x3200, s25  }
0x7: {  	s28 =	simm.s32 $0x80;
	s21 =	sand.u32 $0x1, s2;
	s18 =	smul.u32 $0x64000, s25  }
0x8: {  	[smem:$0x7FF] =	sst s5;
	s7 =	sadd.s32 $0xDE800, s1;
	s6 =	smul.u32 $0x190000, s21  }
0x9: {  	_ =	strace $0x80000047;
	s10 =	ssub.s32 $0x2, s21;
	s22 =	smul.u32 $0x30D40, s21  }
0xa: {  	p0 =	sne.s32 s21, $0x0;
	s21 =	simm.s32 $0x7;
	s9 =	sshrl.u32 s15, $0x3  }
0xb: {  	s26 =	sshrl.u32 s10, $0x1;
	s29 =	sadd.s32 s0, s11;
	s12 =	sor.u32 $0x20, s11  }
0xc: {  	s23 =	sadd.s32 s14, s3;
	s17 =	sshrl.u32 s17, $0x2;
	s31 =	sshrl.u32 s18, $0x2  }
0xd: {  	s18 =	simm.s32 $0x4880;
	s8 =	sadd.s32 s14, s6;
	s6 =	sadd.s32 $0x2A00, s1  }
0xe: {  	s16 =	ssub.s32 s10, s26;
	[dreg:$0x5] =	wrdreg s29;
	s10 =	smul.u32 $0xC400, s25  }
0xf: {  	s23 =	sshrl.u32 s23, $0x3;
	s26 =	simm.s32 $0x1;
	v0 =	vmov s22;
	s22 =	simm.s32 $0x0  }
.Ltmp0:
0x10: {  	s8 =	sshrl.u32 s8, $0x3;
	s30 =	sadd.s32 s6, s11;
	(pc) =	sbr.rel .LBB2_1-.Ltmp0, $4  }
0x11: {  	s11 =	sadd.s32 s0, s12;
	s12 =	sadd.s32 s6, s12;
	s13 =	sadd.s32 s8, s1  }
0x12: {  	s1 =	sadd.s32 s9, s1;
	[dreg:$0x6] =	wrdreg s30;
	s13 =	sadd.s32 $0x266C00, s13  }
0x13: {  	s14 =	sadd.s32 $0x265200, s1;
	s1 =	sadd.s32 s15, s4;
	s15 =	smax.u32 s16, $0x1  }
0x14: {  	v1 =	vimm.f32 $0.0e+00;
	v2 =	vimm.f32 $1.000000000e+00;
	s16 =	sadd.s32 s17, s4;
	s17 =	sadd.s32 s31, s3;
	s24 =	sshrl.u32 @!p0 s1, $0x3  }
.LBB2_11:
0x15: {  	s1 =	stileid.u32  }
0x16: {  	s1 =	sshll.u32 s1, $0x6  }
0x17: {  	[bflag:$0x0] =	sbarrier.arrive $0xFFFF;
	s1 =	sor.u32 $0x1C06, s1  }
0x18: {  	[hbm:s13], [sflag:s1] =	dma.local [spmem:s23], $0x3200  }
0x19: {  	s22 =	sadd.s32 $0x1, s22;
	_ =	swait.ge [sflag:s19], $0x3200  }
0x1a: {  	p1 =	sne.s32 s22, s15;
	[sflag:s19] =	ssyncset.done $0x0  }
.Ltmp1:
0x1b: {  	[sflag:s19] =	ssyncadd.s32 $0xFFFFCE00;
	(pc) =	sbr.rel @!p1 .LBB2_12-.Ltmp1, $4  }
0x1c: {  	[hbm:s14], [sflag:s1] =	dma.local @!p0 [spmem:s24], $0x190  }
0x1d: {  	_ =	swait.ge @!p0 [sflag:s30], $0x190  }
0x1e: {  	[sflag:s30] =	ssyncset.done @!p0 $0x0  }
0x1f: {  	[sflag:s30] =	ssyncadd.s32 @!p0 $0xFFFFFE70  }
.LBB2_1:
0x20: {  	s25 =	simm.s32 $0x80;
	s29 =	simm.s32 $0x0  }
.LBB2_2:
0x21: {  	p1 =	sne.s32 s25, $0x1F80;
	[tilespmem:s29+$0x4880] =	vst v1;
	s30 =	smov.u32 s25;
	s25 =	sadd.s32 $0x80, s25  }
.Ltmp2:
0x22: {  	[tilespmem:s29+$0x4890] =	vst v1;
	(pc) =	sbr.rel @p1 .LBB2_2-.Ltmp2, $2  }
0x23: {  	_ =	sdelay $0x2  }
0x24: {  	s29 =	sshra.s32 s30, $0x2  }
0x25: {  	[tilespmem:s29+$0x4880] =	vst v1  }
0x26: {  	[tilespmem:s29+$0x4890] =	vst v1  }
0x27: {  	[tilespmem:$0x5080] =	vst v1  }
0x28: {  	[tilespmem:$0x5090] =	vst v1  }
0x29: {  	[tilespmem:$0x50A0] =	vst v1  }
0x2a: {  	[tilespmem:$0x50B0] =	vst v1  }
0x2b: {  	[tilespmem:$0x4800] =	vst v2  }
0x2c: {  	[tilespmem:$0x4810] =	vst v2  }
0x2d: {  	[tilespmem:$0x4820] =	vst v2  }
0x2e: {  	[tilespmem:$0x4830] =	vst v2  }
0x2f: {  	[tilespmem:$0x4840] =	vst v2  }
0x30: {  	[tilespmem:$0x4850] =	vst v2  }
0x31: {  	[tilespmem:$0x4860] =	vst v2  }
0x32: {  	[tilespmem:$0x4870] =	vst v2  }
0x33: {  	[spmem:s17] =	stream.linear.scatter [tilespmem:s18], [sflag:$0x6], $0x800, $0x38;
	[tilespmem:$0x1ED40] =	vst v63  }
0x34: {  	_ =	swait.ge [sflag:s19], $0x800  }
0x35: {  	[sflag:s19] =	ssyncset.done $0x0  }
0x36: {  	s25 =	sadd.s32 $0x0, s16;
	[sflag:s19] =	ssyncadd.s32 $0xFFFFF800  }
0x37: {  	[spmem:s25] =	stream.linear.scatter [tilespmem:s20], [sflag:$0x6], $0x40, $0x38;
	[tilespmem:$0x1ED40] =	vst v63  }
0x38: {  	_ =	swait.ge [sflag:s19], $0x40  }
0x39: {  	s29 =	smov.u32 s17;
	s25 =	simm.s32 $0x100;
	[sflag:s19] =	ssyncset.done $0x0  }
.LBB2_4:
0x3a: {  	p1 =	sne.s32 s25, $0x3100;
	[sflag:s19] =	ssyncadd.s32 $0xFFFFFFC0;
	s29 =	sadd.s32 $0x800, s29  }
0x3b: {  	[spmem:s29] =	stream.linear.scatter [tilespmem:s18], [sflag:$0x6], $0x800, $0x38;
	[tilespmem:$0x1ED40] =	vst v63  }
0x3c: {  	s30 =	smov.u32 s25;
	s25 =	sadd.s32 $0x100, s25;
	_ =	swait.ge [sflag:s19], $0x800  }
.Ltmp3:
0x3d: {  	s30 =	sshra.s32 s30, $0x2;
	[sflag:s19] =	ssyncset.done $0x0;
	(pc) =	sbr.rel @p1 .LBB2_4-.Ltmp3, $4  }
0x3e: {  	s30 =	sadd.s32 s30, s16;
	[sflag:s19] =	ssyncadd.s32 $0xFFFFF800  }
0x3f: {  	[spmem:s30] =	stream.linear.scatter [tilespmem:s20], [sflag:$0x6], $0x40, $0x38;
	[tilespmem:$0x1ED40] =	vst v63  }
0x40: {  	_ =	swait.ge [sflag:s19], $0x40  }
0x41: {  	[sflag:s19] =	ssyncset.done $0x0  }
0x42: {  	[sflag:s19] =	ssyncadd.s32 $0xFFFFFFC0  }
0x43: {  	[bflag:$0x0] =	sbarrier.arrive $0xFFFF  }
0x44: {  	s25 =	simm.s32 $0x0;
	s1 =	rddreg [dreg:$0x5]  }
0x45: {  	[tilespmem:s25], [sflag:$0x1] =	stream.linear.gather [hbm4b:s1+s25], $0x100, $0x38;
	[tilespmem:$0x1ED40] =	vst v63  }
0x46: {  	s2 =	simm.s32 $0x500;
	s31 =	rddreg [dreg:$0x6]  }
0x47: {  	[tilespmem:s2], [sflag:$0x1] =	stream.linear.gather [hbm4b:s31+s25], $0x100, $0x38;
	[tilespmem:$0x1ED40] =	vst v63  }
0x48: {  	s2 =	simm.s32 $0x100  }
0x49: {  	[tilespmem:s2], [sflag:$0x2] =	stream.linear.gather [hbm4b:s11+s25], $0x100, $0x38;
	[tilespmem:$0x1ED40] =	vst v63  }
0x4a: {  	s8 =	simm.s32 $0x600  }
0x4b: {  	[tilespmem:s8], [sflag:$0x2] =	stream.linear.gather [hbm4b:s12+s25], $0x100, $0x38;
	[tilespmem:$0x1ED40] =	vst v63  }
0x4c: {  	_ =	swait.ge [sflag:s26], $0x100  }
0x4d: {  	[sflag:s26] =	ssyncset.done $0x0  }
0x4e: {  	[sflag:s26] =	ssyncadd.s32 $0xFFFFFF00  }
0x4f: {  	_ =	swait.ge [sflag:s26], $0x100  }
0x50: {  	[sflag:s26] =	ssyncset.done $0x0  }
0x51: {  	[sflag:s26] =	ssyncadd.s32 $0xFFFFFF00  }
0x52: {  	v3 =	vld [tilespmem:$0x0]  }
0x53: {  	v4 =	vld [tilespmem:$0x10]  }
0x54: {  	v5 =	vld [tilespmem:$0x20]  }
0x55: {  	v6 =	vld [tilespmem:$0x30]  }
0x56: {  	v7 =	vld [tilespmem:$0x40]  }
0x57: {  	v8 =	vld [tilespmem:$0x50];
	v3 =	vadd.s32 v0, v3  }
0x58: {  	v54 =	vld [tilespmem:$0x60];
	[tilespmem:$0x300] =	vst v3;
	v3 =	vadd.s32 v0, v4  }
0x59: {  	v55 =	vld [tilespmem:$0x70];
	[tilespmem:$0x310] =	vst v3;
	v3 =	vadd.s32 v0, v5  }
0x5a: {  	v56 =	vld [tilespmem:$0x80];
	[tilespmem:$0x320] =	vst v3;
	v3 =	vadd.s32 v0, v6  }
0x5b: {  	v57 =	vld [tilespmem:$0x90];
	[tilespmem:$0x330] =	vst v3;
	v3 =	vadd.s32 v0, v7  }
0x5c: {  	v58 =	vld [tilespmem:$0xA0];
	[tilespmem:$0x340] =	vst v3;
	v3 =	vadd.s32 v0, v8  }
0x5d: {  	v59 =	vld [tilespmem:$0xB0];
	[tilespmem:$0x350] =	vst v3;
	v3 =	vadd.s32 v0, v54  }
0x5e: {  	v60 =	vld [tilespmem:$0xC0];
	[tilespmem:$0x360] =	vst v3;
	v3 =	vadd.s32 v0, v55  }
0x5f: {  	v61 =	vld [tilespmem:$0xD0];
	[tilespmem:$0x370] =	vst v3;
	v3 =	vadd.s32 v0, v56  }
0x60: {  	v62 =	vld [tilespmem:$0xE0];
	[tilespmem:$0x380] =	vst v3;
	v3 =	vadd.s32 v0, v57  }
0x61: {  	v63 =	vld [tilespmem:$0xF0];
	[tilespmem:$0x390] =	vst v3;
	v3 =	vadd.s32 v0, v58  }
0x62: {  	[tilespmem:$0x3A0] =	vst v3;
	v3 =	vadd.s32 v0, v59  }
0x63: {  	[tilespmem:$0x3B0] =	vst v3;
	v3 =	vadd.s32 v0, v60  }
0x64: {  	[tilespmem:$0x3C0] =	vst v3;
	v3 =	vadd.s32 v0, v61  }
0x65: {  	[tilespmem:$0x3D0] =	vst v3;
	v3 =	vadd.s32 v0, v62  }
.Ltmp4:
0x66: {  	[tilespmem:$0x3E0] =	vst v3;
	v3 =	vadd.s32 v0, v63;
	(pc) =	sbr.rel .LBB2_6-.Ltmp4, $4  }
0x67: {  	s9 =	simm.s32 $0x300;
	s29 =	simm.s32 $0x800;
	[tilespmem:$0x3F0] =	vst v3  }
0x68: {  	[tilespmem:s29], [sflag:$0x4] =	stream.indirect.gather [hbm4b:s7+s28], $0x20, s9, s28, $0xb8;
	[tilespmem:$0x1ED40] =	vst v63  }
0x69: {  	s30 =	simm.s32 $0x380;
	s31 =	simm.s32 $0x1800  }
0x6a: {  	[tilespmem:s31], [sflag:$0x4] =	stream.indirect.gather [hbm4b:s7+s28], $0x20, s30, s28, $0xb8;
	[tilespmem:$0x1ED40] =	vst v63  }
.LBB2_7:
0x6b: {  	s29 =	sadd.s32 $0x2, s25  }
0x6c: {  	s30 =	smul.u32 $0xAB, s29;
	_ =	sdelay $0x1  }
0x6d: {  	s30 =	sshrl.u32 s30, $0x9  }
0x6e: {  	s30 =	sand.u32 $0x7F, s30  }
0x6f: {  	s30 =	smul.u32 $0x3, s30  }
0x70: {  	s31 =	sshll.u32 s29, $0x8  }
0x71: {  	s29 =	ssub.s32 s29, s30;
	s30 =	sadd.s32 s10, s31  }
0x72: {  	s29 =	sand.u32 $0xFF, s29;
	s30 =	sshrl.u32 s30, $0x3  }
0x73: {  	s2 =	sadd.s32 $0x1, s29;
	s29 =	sshll.u32 s29, $0x8;
	s1 =	sadd.s32 s0, s30  }
0x74: {  	[tilespmem:s29], [sflag:s2] =	stream.linear.gather [hbm4b:s1+s5], $0x100, $0x38;
	[tilespmem:$0x1ED40] =	vst v63  }
0x75: {  	s9 =	sadd.s32 s6, s30;
	s30 =	sadd.s32 $0x1, s25;
	s8 =	sadd.s32 $0x500, s29  }
0x76: {  	[tilespmem:s8], [sflag:s2] =	stream.linear.gather [hbm4b:s9+s5], $0x100, $0x38;
	[tilespmem:$0x1ED40] =	vst v63  }
.LBB2_9:
0x77: {  	s1 =	smul.u32 $0xAB, s30;
	_ =	sdelay $0x1  }
0x78: {  	s1 =	sshrl.u32 s1, $0x9  }
0x79: {  	s1 =	sand.u32 $0x7F, s1  }
0x7a: {  	s1 =	smul.u32 $0x3, s1;
	_ =	sdelay $0x1  }
0x7b: {  	s1 =	ssub.s32 s30, s1  }
0x7c: {  	s1 =	sand.u32 $0xFF, s1  }
0x7d: {  	s29 =	sadd.s32 $0x1, s1  }
0x7e: {  	_ =	swait.ge [sflag:s29], $0x100  }
0x7f: {  	[sflag:s29] =	ssyncset.done $0x0  }
0x80: {  	[sflag:s29] =	ssyncadd.s32 $0xFFFFFF00  }
0x81: {  	_ =	swait.ge [sflag:s29], $0x100  }
0x82: {  	[sflag:s29] =	ssyncset.done $0x0  }
0x83: {  	s1 =	sshll.u32 s1, $0x8;
	[sflag:s29] =	ssyncadd.s32 $0xFFFFFF00  }
0x84: {  	v3 =	vld [tilespmem:s1+$0x0];
	_ =	sdelay $0x3  }
0x85: {  	s29 =	sand.u32 $0x1, s30  }
0x86: {  	s31 =	sshll.u32 s29, $0x8;
	v3 =	vadd.s32 v0, v3  }
0x87: {  	[tilespmem:s31+$0x300] =	vst v3  }
0x88: {  	v3 =	vld [tilespmem:s1+$0x10];
	_ =	sdelay $0x4  }
0x89: {  	v3 =	vadd.s32 v0, v3  }
0x8a: {  	[tilespmem:s31+$0x310] =	vst v3  }
0x8b: {  	v3 =	vld [tilespmem:s1+$0x20];
	_ =	sdelay $0x4  }
0x8c: {  	v3 =	vadd.s32 v0, v3  }
0x8d: {  	[tilespmem:s31+$0x320] =	vst v3  }
0x8e: {  	v3 =	vld [tilespmem:s1+$0x30];
	_ =	sdelay $0x4  }
0x8f: {  	v3 =	vadd.s32 v0, v3  }
0x90: {  	[tilespmem:s31+$0x330] =	vst v3  }
0x91: {  	v3 =	vld [tilespmem:s1+$0x40];
	_ =	sdelay $0x4  }
0x92: {  	v3 =	vadd.s32 v0, v3  }
0x93: {  	[tilespmem:s31+$0x340] =	vst v3  }
0x94: {  	v3 =	vld [tilespmem:s1+$0x50];
	_ =	sdelay $0x4  }
0x95: {  	v3 =	vadd.s32 v0, v3  }
0x96: {  	[tilespmem:s31+$0x350] =	vst v3  }
0x97: {  	v3 =	vld [tilespmem:s1+$0x60];
	_ =	sdelay $0x4  }
0x98: {  	v3 =	vadd.s32 v0, v3  }
0x99: {  	[tilespmem:s31+$0x360] =	vst v3  }
0x9a: {  	v3 =	vld [tilespmem:s1+$0x70];
	_ =	sdelay $0x4  }
0x9b: {  	v3 =	vadd.s32 v0, v3  }
0x9c: {  	[tilespmem:s31+$0x370] =	vst v3  }
0x9d: {  	v3 =	vld [tilespmem:s1+$0x80];
	_ =	sdelay $0x4  }
0x9e: {  	v3 =	vadd.s32 v0, v3  }
0x9f: {  	[tilespmem:s31+$0x380] =	vst v3  }
0xa0: {  	v3 =	vld [tilespmem:s1+$0x90];
	_ =	sdelay $0x4  }
0xa1: {  	v3 =	vadd.s32 v0, v3  }
0xa2: {  	[tilespmem:s31+$0x390] =	vst v3  }
0xa3: {  	v3 =	vld [tilespmem:s1+$0xA0];
	_ =	sdelay $0x4  }
0xa4: {  	v3 =	vadd.s32 v0, v3  }
0xa5: {  	[tilespmem:s31+$0x3A0] =	vst v3  }
0xa6: {  	v3 =	vld [tilespmem:s1+$0xB0];
	_ =	sdelay $0x4  }
0xa7: {  	v3 =	vadd.s32 v0, v3  }
0xa8: {  	[tilespmem:s31+$0x3B0] =	vst v3  }
0xa9: {  	v3 =	vld [tilespmem:s1+$0xC0];
	_ =	sdelay $0x4  }
0xaa: {  	v3 =	vadd.s32 v0, v3  }
0xab: {  	[tilespmem:s31+$0x3C0] =	vst v3  }
0xac: {  	v3 =	vld [tilespmem:s1+$0xD0];
	_ =	sdelay $0x4  }
0xad: {  	v3 =	vadd.s32 v0, v3  }
0xae: {  	[tilespmem:s31+$0x3D0] =	vst v3  }
0xaf: {  	v3 =	vld [tilespmem:s1+$0xE0];
	_ =	sdelay $0x4  }
0xb0: {  	v3 =	vadd.s32 v0, v3  }
0xb1: {  	[tilespmem:s31+$0x3E0] =	vst v3  }
0xb2: {  	v3 =	vld [tilespmem:s1+$0xF0];
	_ =	sdelay $0x4  }
0xb3: {  	s9 =	sshll.u32 s29, $0xD;
	v3 =	vadd.s32 v0, v3  }
0xb4: {  	s29 =	sor.u32 $0x4, s29;
	s2 =	sadd.s32 $0x300, s31;
	s8 =	sor.u32 $0x800, s9;
	[tilespmem:s31+$0x3F0] =	vst v3  }
0xb5: {  	[tilespmem:s8], [sflag:s29] =	stream.indirect.gather [hbm4b:s7+s28], $0x20, s2, s28, $0xb8;
	[tilespmem:$0x1ED40] =	vst v63  }
0xb6: {  	s1 =	sor.u32 $0x1800, s9;
	s31 =	sadd.s32 $0x380, s31  }
0xb7: {  	[tilespmem:s1], [sflag:s29] =	stream.indirect.gather [hbm4b:s7+s28], $0x20, s31, s28, $0xb8;
	[tilespmem:$0x1ED40] =	vst v63  }
0xb8: {  	s29 =	smov.u32 s30  }
.LBB2_10:
0xb9: {  	s1 =	smul.u32 $0xAB, s25;
	_ =	sdelay $0x1  }
0xba: {  	s1 =	sshrl.u32 s1, $0x9  }
0xbb: {  	s1 =	sand.u32 $0x7F, s1  }
0xbc: {  	s1 =	smul.u32 $0x3, s1  }
0xbd: {  	s2 =	sand.u32 $0x1, s25  }
0xbe: {  	s8 =	sor.u32 $0x4, s2;
	s1 =	ssub.s32 s25, s1  }
0xbf: {  	_ =	swait.ge [sflag:s8], $0x1000;
	s1 =	sand.u32 $0xFF, s1  }
0xc0: {  	s2 =	sshll.u32 s2, $0xD;
	[sflag:s8] =	ssyncset.done $0x0;
	s1 =	sshll.u32 s1, $0x8  }
0xc1: {  	s31 =	sor.u32 $0x800, s2;
	[sflag:s8] =	ssyncadd.s32 $0xFFFFF000;
	s30 =	sadd.s32 $0x500, s1  }
0xc2: {  	[spmem:s3] =	stream.indirect.scatter.add.f32 [tilespmem:s31], [sflag:$0x7], $0x20, s30, s28, $0xb8;
	[tilespmem:$0x1ED40] =	vst v63  }
0xc3: {  	_ =	swait.ge [sflag:s21], $0x1000  }
0xc4: {  	[sflag:s21] =	ssyncset.done $0x0  }
0xc5: {  	[sflag:s21] =	ssyncadd.s32 $0xFFFFF000  }
0xc6: {  	_ =	swait.ge @p0 [sflag:s8], $0x1000  }
0xc7: {  	s9 =	simm.s32 @p0 $0x80;
	[sflag:s8] =	ssyncset.done @p0 $0x0  }
0xc8: {  	s25 =	sadd.s32 @p0 $0x1800, s2;
	s31 =	sadd.s32 @p0 $0x580, s1;
	[sflag:s8] =	ssyncadd.s32 @p0 $0xFFFFF000  }
0xc9: {  	[spmem:s3] =	stream.indirect.scatter.add.f32 @p0 [tilespmem:s25], [sflag:$0x7], $0x20, s31, s9, $0xb8;
	[tilespmem:$0x1ED40] =	vst v63  }
0xca: {  	s9 =	simm.s32 @p0 $0x7  }
0xcb: {  	_ =	swait.ge @p0 [sflag:s9], $0x1000  }
0xcc: {  	[sflag:s9] =	ssyncset.done @p0 $0x0  }
0xcd: {  	s25 =	simm.s32 @!p0 $0x4800;
	[sflag:s9] =	ssyncadd.s32 @p0 $0xFFFFF000;
	s9 =	simm.s32 @!p0 $0x80  }
0xce: {  	[spmem:s4] =	stream.indirect.scatter.add.f32 @!p0 [tilespmem:s25], [sflag:$0x7], $0x1, s30, s9, $0xb8;
	[tilespmem:$0x1ED40] =	vst v63  }
0xcf: {  	s30 =	simm.s32 @!p0 $0x7  }
0xd0: {  	_ =	swait.ge @!p0 [sflag:s30], $0x80  }
0xd1: {  	[sflag:s30] =	ssyncset.done @!p0 $0x0  }
0xd2: {  	[sflag:s30] =	ssyncadd.s32 @!p0 $0xFFFFFF80  }
0xd3: {  	_ =	swait.ge @!p0 [sflag:s8], $0x1000  }
0xd4: {  	[sflag:s8] =	ssyncset.done @!p0 $0x0  }
0xd5: {  	s2 =	sadd.s32 @!p0 $0x1800, s2;
	s1 =	sadd.s32 @!p0 $0x580, s1;
	[sflag:s8] =	ssyncadd.s32 @!p0 $0xFFFFF000  }
0xd6: {  	[spmem:s3] =	stream.indirect.scatter.add.f32 @!p0 [tilespmem:s2], [sflag:$0x7], $0x20, s1, s9, $0xb8;
	[tilespmem:$0x1ED40] =	vst v63  }
0xd7: {  	_ =	swait.ge @!p0 [sflag:s30], $0x1000  }
0xd8: {  	p1 =	slt.u32 s29, $0xC4;
	[sflag:s30] =	ssyncset.done @!p0 $0x0  }
.Ltmp5:
0xd9: {  	[sflag:s30] =	ssyncadd.s32 @!p0 $0xFFFFF000;
	s30 =	simm.s32 @!p0 $0x6;
	(pc) =	sbr.rel @!p1 .LBB2_11-.Ltmp5, $4  }
0xda: {  	[spmem:s4] =	stream.indirect.scatter.add.f32 @!p0 [tilespmem:s25], [sflag:$0x6], $0x1, s1, s9, $0xb8;
	[tilespmem:$0x1ED40] =	vst v63  }
0xdb: {  	_ =	swait.ge @!p0 [sflag:s30], $0x80  }
0xdc: {  	[sflag:s30] =	ssyncset.done @!p0 $0x0  }
0xdd: {  	s25 =	smov.u32 s29;
	[sflag:s30] =	ssyncadd.s32 @!p0 $0xFFFFFF80  }
.LBB2_6:
0xde: {  	p1 =	sgt.u32 s25, $0xC1  }
.Ltmp6:
0xdf: {  	_ = 	snop;
	(pc) =	sbr.rel @!p1 .LBB2_7-.Ltmp6, $1  }
0xe0: {  	_ =	sdelay $0x3  }
0xe1: {  	p1 =	seq.s32 s25, $0xC3  }
.Ltmp7:
0xe2: {  	_ = 	snop;
	(pc) =	sbr.rel @p1 .LBB2_10-.Ltmp7, $4  }
.Ltmp8:
0xe3: {  	_ = 	snop;
	(pc) =	sbr.rel @!p1 .LBB2_9-.Ltmp8, $4  }
0xe4: {  	_ = 	snop  }
0xe5: {  	_ = 	snop  }
0xe6: {  	s30 =	simm.s32 $0xC3;
	s29 =	simm.s32 $0xC4  }
0xe7: {  	_ = 	snop  }
.LBB2_12:
0xe8: {  	_ =	sfence.sel $0x180000  }
0xe9: {  	[bflag:$0x0] =	sbarrier.arrive $0xFFFF  }
0xea: {  	_ =	strace $0x90000047  }
0xeb: {  	s0 =	stileid.u32;
	[bflag:$0x2] =	sbarrier.arrive $0xFFFF  }
0xec: {  	p0 =	sne.s32 s0, $0x0;
	s0 =	rddreg [dreg:$0x4]  }
0xed: {  	s0 =	sadd.s32 @!p0 $0x100000, s0  }
0xee: {  	[sflag:s0] =	ssyncadd.tile.s32 @!p0 $0x1;
	_ =	shalt  }
.Lfunc_end2:
_tile_overlayer_lowered:
.L_overlay_start_2:
0xef: {  	(tag) =	ssettag $0x2  }
0xf0: {  	s0 =	rddreg [dreg:$0x0];
	s2 =	stileid.u32  }
0xf1: {  	s1 =	rddreg [dreg:$0x1];
	p0 =	sne.s32 s2, $0x0  }
0xf2: {  	s3 =	rddreg [dreg:$0x2];
	[bflag:$0x3] =	sbarrier.arrive $0xFFFF;
	s2 =	simm.s32 @!p0 $0x1C06  }
0xf3: {  	[timem:s3], [sflag:s2] =	dma.local @!p0 [hbm:s0], s1  }
0xf4: {  	s0 =	simm.s32 @!p0 $0x6  }
0xf5: {  	_ =	swait.ge @!p0 [sflag:s0], s1  }
0xf6: {  	s1 =	ssub.s32 @!p0 $0x0, s1;
	[sflag:s0] =	ssyncset.done @!p0 $0x0  }
0xf7: {  	[sflag:s0] =	ssyncadd.s32 @!p0 s1  }
0xf8: {  	[bflag:$0x3] =	sbarrier.arrive $0xFFFF  }
0xf9: {  	_ =	shalt  }

// kernel: kernel.14.cloned.1.call-start
scs
__scs_entry_jumppad:
0x0: {  	(pc) =	sbr.rel $0x88, $3  }
0x1: {  	(tag) =	ssettag $0x0;
	lr =	simm.s32 $0x1  }
0x2: {  	[smem:$0x3F94] =	sst lr;
	_ =	strace $0xD0000000  }
0x3: {  	_ = 	snop  }
0x4: {  	_ = 	snop  }
0x5: {  	_ = 	snop  }
0x6: {  	_ = 	snop  }
0x7: {  	_ = 	snop  }
__scs_overlays_trampoline_lowered:
0x8: {  	[smem:$0x3FA3] =	sst s0  }
0x9: {  	[smem:$0x3FA4] =	sst s1  }
0xa: {  	[smem:$0x3FA5] =	sst s2  }
0xb: {  	[smem:$0x3FA6] =	sst s3  }
0xc: {  	[smem:$0x3FA7] =	sst s4  }
0xd: {  	[smem:$0x3FA8] =	sst s5  }
0xe: {  	[smem:$0x3FA9] =	sst s6  }
0xf: {  	[smem:$0x3FAA] =	sst s7  }
0x10: {  	[smem:$0x3FAB] =	sst s8  }
0x11: {  	[smem:$0x3FAC] =	sst s9;
	s0 =	simm.s32 @!p0 $0x0  }
0x12: {  	s1 =	sld [smem:$0x3F92];
	s0 =	simm.s32 @p0 $0x1  }
0x13: {  	[smem:$0x3FAD] =	sst s0;
	s0 =	simm.s32 @!p1 $0x0  }
0x14: {  	s2 =	sld [smem:$0x3F91];
	s0 =	simm.s32 @p1 $0x1  }
0x15: {  	[smem:$0x3FAE] =	sst s0;
	s0 =	simm.s32 @!p2 $0x0  }
0x16: {  	s3 =	sld [smem:$0x3FDB];
	s0 =	simm.s32 @p2 $0x1  }
0x17: {  	s4 =	simm.s32 $0x1BF5;
	[smem:$0x3FB0] =	sst s0  }
0x18: {  	s0 =	sld [smem:$0x3F93];
	_ =	swait.ge [sflag:s4], $0x0  }
0x19: {  	s7 =	sld [smem:$0x3F94]  }
0x1a: {  	s8 =	sadd.s32 $0xFFFFE003, lr  }
0x1b: {  	s9 =	sadd.s32 $0xFFFFFEF7, lr;
	s5 =	simm.s32 $0xFFFFFFFF;
	p2 =	slt.u32 s8, $0xFFFFF086  }
0x1c: {  	p1 =	slt.u32 s9, $0xF7A;
	s5 =	simm.s32 @!p2 $0x0  }
0x1d: {  	s5 =	simm.s32 @p1 $0x1;
	p0 =	seq.s32 s7, s2  }
0x1e: {  	s7 =	smul.u32 @!p0 $0xF7A, s2;
	p2 =	seq.s32 @!p0 s5, $0x0  }
0x1f: {  	s9 =	smul.u32 $0xF7A, s1;
	s8 =	simm.s32 @!p0 $0x1BF5;
	p2 =	por !p2, p0  }
0x20: {  	[sflag:s8] =	ssyncset.s32 @!p0 $0xFFFFF086;
	s6 =	sadd.s32 @!p0 s3, s7;
	s7 =	simm.s32 @!p0 $0x108  }
0x21: {  	s3 =	sadd.s32 s3, s9;
	s6 =	sadd.s32 @!p0 $0x88, s6;
	s7 =	simm.s32 @p2 $0x1082  }
0x22: {  	[simem:s7], [sflag:s8] =	dma.local @!p0 [hbm:s6], $0xF7A  }
0x23: {  	s9 =	sor.u32 $0xD0000000, s2;
	s6 =	simm.s32 $0x108;
	_ =	swait.ge @!p0 [sflag:s8], $0x0  }
0x24: {  	s3 =	sadd.s32 $0x88, s3;
	s6 =	simm.s32 @!p1 $0x1082;
	[sflag:s4] =	ssyncset.s32 $0xFFFFF086  }
0x25: {  	[simem:s6], [sflag:s4] =	dma.local [hbm:s3], $0xF7A  }
0x26: {  	[smem:$0x3F94] =	sst s1;
	(tag) =	ssettag s2;
	_ =	strace s9  }
0x27: {  	s1 =	sld [smem:$0x3FA4]  }
0x28: {  	s2 =	sld [smem:$0x3FA5]  }
0x29: {  	s4 =	sld [smem:$0x3FA7]  }
0x2a: {  	p0 =	seq.s32 s5, $0x0;
	s5 =	sld [smem:$0x3FA8]  }
0x2b: {  	s6 =	sld [smem:$0x3FA9]  }
0x2c: {  	s7 =	sld [smem:$0x3FAA]  }
0x2d: {  	s3 =	simm.s32 $0x108;
	s8 =	sld [smem:$0x3FAB]  }
0x2e: {  	s3 =	simm.s32 @!p0 $0x1082;
	s9 =	sld [smem:$0x3FAC]  }
0x2f: {  	lr =	sadd.s32 s0, s3;
	s0 =	sld [smem:$0x3FA3]  }
0x30: {  	s3 =	sld [smem:$0x3FA6]  }
0x31: {  	[smem:$0x3FAF] =	sst s10  }
0x32: {  	s10 =	sld [smem:$0x3FAD];
	_ =	sdelay $0x3  }
0x33: {  	p0 =	seq.s32 s10, $0x1;
	s10 =	sld [smem:$0x3FAF];
	_ =	sdelay $0x3  }
0x34: {  	[smem:$0x3FAF] =	sst s10  }
0x35: {  	s10 =	sld [smem:$0x3FAE];
	_ =	sdelay $0x3  }
0x36: {  	p1 =	seq.s32 s10, $0x1;
	s10 =	sld [smem:$0x3FAF];
	_ =	sdelay $0x3  }
0x37: {  	[smem:$0x3FAF] =	sst s10  }
0x38: {  	s10 =	sld [smem:$0x3FB0]  }
0x39: {  	_ = 	snop;
	(pc) =	sbr.ind lr, $3  }
0x3a: {  	_ = 	snop  }
0x3b: {  	_ = 	snop  }
0x3c: {  	p2 =	seq.s32 s10, $0x1;
	s10 =	sld [smem:$0x3FAF]  }
0x3d: {  	_ =	shalt  }
0x3e: {  	_ =	shalt  }
0x3f: {  	_ =	shalt  }
0x40: {  	_ =	shalt  }
0x41: {  	_ =	shalt  }
0x42: {  	_ =	shalt  }
0x43: {  	_ =	shalt  }
0x44: {  	_ =	shalt  }
0x45: {  	_ =	shalt  }
0x46: {  	_ =	shalt  }
0x47: {  	_ =	shalt  }
0x48: {  	_ =	shalt  }
0x49: {  	_ =	shalt  }
0x4a: {  	_ =	shalt  }
0x4b: {  	_ =	shalt  }
0x4c: {  	_ =	shalt  }
0x4d: {  	_ =	shalt  }
0x4e: {  	_ =	shalt  }
0x4f: {  	_ =	shalt  }
0x50: {  	_ =	shalt  }
0x51: {  	_ =	shalt  }
0x52: {  	_ =	shalt  }
0x53: {  	_ =	shalt  }
0x54: {  	_ =	shalt  }
0x55: {  	_ =	shalt  }
0x56: {  	_ =	shalt  }
0x57: {  	_ =	shalt  }
0x58: {  	_ =	shalt  }
0x59: {  	_ =	shalt  }
0x5a: {  	_ =	shalt  }
0x5b: {  	_ =	shalt  }
0x5c: {  	_ =	shalt  }
0x5d: {  	_ =	shalt  }
0x5e: {  	_ =	shalt  }
0x5f: {  	_ =	shalt  }
0x60: {  	_ =	shalt  }
0x61: {  	_ =	shalt  }
0x62: {  	_ =	shalt  }
0x63: {  	_ =	shalt  }
0x64: {  	_ =	shalt  }
0x65: {  	_ =	shalt  }
0x66: {  	_ =	shalt  }
0x67: {  	_ =	shalt  }
0x68: {  	_ =	shalt  }
0x69: {  	_ =	shalt  }
0x6a: {  	_ =	shalt  }
0x6b: {  	_ =	shalt  }
0x6c: {  	_ =	shalt  }
0x6d: {  	_ =	shalt  }
0x6e: {  	_ =	shalt  }
0x6f: {  	_ =	shalt  }
0x70: {  	_ =	shalt  }
0x71: {  	_ =	shalt  }
0x72: {  	_ =	shalt  }
0x73: {  	_ =	shalt  }
0x74: {  	_ =	shalt  }
0x75: {  	_ =	shalt  }
0x76: {  	_ =	shalt  }
0x77: {  	_ =	shalt  }
0x78: {  	_ =	shalt  }
0x79: {  	_ =	shalt  }
0x7a: {  	_ =	shalt  }
0x7b: {  	_ =	shalt  }
0x7c: {  	_ =	shalt  }
0x7d: {  	_ =	shalt  }
0x7e: {  	_ =	shalt  }
0x7f: {  	_ =	shalt  }
0x80: {  	_ =	shalt  }
0x81: {  	_ =	shalt  }
0x82: {  	_ =	shalt  }
0x83: {  	_ =	shalt  }
0x84: {  	_ =	shalt  }
0x85: {  	_ =	shalt  }
0x86: {  	_ =	shalt  }
0x87: {  	_ =	shalt  }
.Lfunc_end0:
.L_simem_size_0:
called_computation.1_lowered:
.L_overlay_start_0:
0x88: {  	s2 =	sld [smem:$0x3FD9]  }
0x89: {  	s3 =	sld [smem:$0x3FFE];
	_ =	sdelay $0x1  }
0x8a: {  	s1 =	srdreg.scid  }
0x8b: {  	s0 =	sand.u32 $0x1, s1  }
0x8c: {  	s17 =	sshll.u32 s0, $0xA;
	s2 =	sadd.s32 s3, s2  }
0x8d: {  	s2 =	sadd.s32 s2, s17  }
0x8e: {  	[smem:$0x3FBB] =	sst s2  }
0x8f: {  	_ = 	snop  }
0x90: {  	s2 =	sld [smem:$0x3FD0];
	(tm) =	ssettm $0x1  }
0x91: {  	s18 =	sld [smem:$0x3FFB];
	_ =	sdelay $0x3  }
0x92: {  	_ =	strace s18  }
0x93: {  	s3 =	sld [smem:$0x3FFC];
	_ =	sdelay $0x3  }
0x94: {  	_ =	strace s3  }
0x95: {  	s3 =	sld [smem:$0x3FFD];
	_ =	sdelay $0x3  }
0x96: {  	_ =	strace s3  }
0x97: {  	_ =	strace $0x8FFFFFFF  }
0x98: {  	s19 =	sld [smem:$0x3FDB];
	_ =	sdelay $0x1  }
0x99: {  	s4 =	simm.s32 $_scs_section_size  }
0x9a: {  	s5 =	simm.s32 $_size__tile_overlayer_lowered;
	s6 =	simm.s32 $_tile_overlayer_lowered  }
0x9b: {  	s22 =	simm.s32 $0x1BFF;
	s21 =	sshll.u32 s6, $0x1;
	s3 =	sadd.s32 s4, s19  }
0x9c: {  	s7 =	simm.s32 $0x0;
	s20 =	sshll.u32 s5, $0x1;
	s5 =	sadd.s32 s21, s3  }
0x9d: {  	[timem:s7], [sflag:s22] =	dma.local [hbm:s5], s20  }
0x9e: {  	_ =	swait.ge [sflag:s22], s20  }
0x9f: {  	s4 =	ssub.s32 $0x0, s20;
	[sflag:s22] =	ssyncset.done $0x0  }
0xa0: {  	[sflag:s22] =	ssyncadd.s32 s4;
	_ =	sdelay $0x1  }
0xa1: {  	s23 =	simm.s32 $0x1B8B  }
0xa2: {  	_ =	swait.ge [sflag:s23], $0x1  }
0xa3: {  	[sflag:s23] =	ssyncset.done $0x0  }
0xa4: {  	s25 =	simm.s32 $0x1B8E;
	s24 =	sld [smem:$0x3FFE];
	[sflag:s23] =	ssyncadd.s32 $0xFFFFFFFF  }
0xa5: {  	s26 =	simm.s32 $execute0_lowered;
	[smem:$0x3FD2] =	sst s25  }
0xa6: {  	s5 =	sshll.u32 s26, $0x1;
	_ =	strace $0x80000049;
	[dreg:$0x1] =	wrdreg $0xFFFFFFFF  }
0xa7: {  	s28 =	simm.s32 $_size_execute0_lowered;
	s3 =	sadd.s32 s3, s5;
	[dreg:$0x0] =	wrdreg $0x0  }
0xa8: {  	s5 =	sshll.u32 s28, $0x1;
	[dreg:$0x2] =	wrdreg s3  }
0xa9: {  	[dreg:$0x3] =	wrdreg s5  }
0xaa: {  	[dreg:$0x4] =	wrdreg $0xC0  }
0xab: {  	_ =	task [dreg:s7], $0x5FFFF  }
0xac: {  	[dreg:$0x1] =	wrdreg $0xFFFFFFFF  }
0xad: {  	[dreg:$0x0] =	wrdreg $0x60  }
0xae: {  	[dreg:$0x2] =	wrdreg s2  }
0xaf: {  	[dreg:$0x3] =	wrdreg s24  }
0xb0: {  	[dreg:$0x4] =	wrdreg $0x50000  }
0xb1: {  	[dreg:$0x5] =	wrdreg $0x9  }
0xb2: {  	_ =	task.clear_ibuf [dreg:s7], $0x6FFFF;
	_ =	strace $0x90000049  }
0xb3: {  	s29 =	simm.s32 $0x9;
	_ =	strace $0x8000004B  }
0xb4: {  	_ =	swait.ge [sflag:s29], $0x1  }
0xb5: {  	[sflag:s29] =	ssyncadd.s32 $0xFFFFFFFF  }
0xb6: {  	_ =	strace $0x9000004B  }
0xb7: {  	_ =	sfence  }
0xb8: {  	s30 =	sld [smem:$0x0];
	_ =	sdelay $0x2  }
0xb9: {  	s31 =	sshll.u32 s1, $0xD;
	s1 =	sshrl.u32 s1, $0x2  }
0xba: {  	s3 =	sand.u32 $0x4000, s31;
	s1 =	sadd.s32 s1, s30  }
0xbb: {  	s0 =	sor.u32 s3, s0;
	s1 =	sshll.u32 s1, $0x11  }
0xbc: {  	s0 =	sor.u32 s1, s0  }
0xbd: {  	s0 =	sadd.s32 $0x8F2B, s0  }
0xbe: {  	[sflag:s0] =	ssyncadd.remote.s32 $0x1  }
0xbf: {  	_ =	sfence.sel $0xFFFF  }
0xc0: {  	[dreg:$0x0] =	wrdreg $0xFFFFFFFF;
	(pc) =	sbr.abs _section_cstart, $3  }
0xc1: {  	[dreg:$0x1] =	wrdreg $0xFFFFFFFF  }
0xc2: {  	_ =	task.clear_ibuf [dreg:s7], $0x2FFFF;
	_ =	strace $0x9FFFFFFF  }
0xc3: {  	(tm) =	ssettm $0x7FFFFFFF  }
tec
execute0_lowered:
.L_overlay_start_1:
0x0: {  	(tag) =	ssettag $0x1  }
0x1: {  	s1 =	rddreg [dreg:$0x0]  }
0x2: {  	s7 =	rddreg [dreg:$0x1]  }
0x3: {  	s2 =	rddreg [dreg:$0x2];
	s3 =	srdreg.scid;
	s4 =	simm.s32 $0x0  }
0x4: {  	s20 =	simm.s32 $0x1;
	s21 =	simm.s32 $0x80;
	s22 =	simm.s32 $0x300  }
0x5: {  	s23 =	simm.s32 $0x800;
	s24 =	simm.s32 $0x380;
	s8 =	sand.u32 $0x1, s3  }
0x6: {  	s28 =	simm.s32 $0x0;
	s3 =	stileid.u32;
	s9 =	smul.u32 $0x190000, s8  }
0x7: {  	[smem:$0x7FF] =	sst s4;
	s5 =	sadd.s32 $0x2A00, s7;
	s14 =	smul.u32 $0x19000, s3  }
0x8: {  	s6 =	sadd.s32 $0x2CB000, s7;
	s10 =	ssub.s32 $0x2, s8;
	s11 =	smul.u32 $0x64000, s3  }
0x9: {  	_ =	strace $0x8000004A;
	s13 =	smul.u32 $0x1880, s3;
	s12 =	sshrl.u32 s10, $0x1  }
0xa: {  	s25 =	smul.u32 $0x30D40, s8;
	s9 =	sadd.s32 s14, s9;
	s16 =	ssub.s32 s10, s12  }
0xb: {  	s30 =	sshrl.u32 s11, $0x2;
	s31 =	sor.u32 $0x20, s13;
	s12 =	smul.u32 $0xC400, s3  }
.Ltmp0:
0xc: {  	s8 =	sadd.s32 s1, s13;
	s26 =	sadd.s32 s14, s2;
	(pc) =	sbr.rel .LBB2_1-.Ltmp0, $4  }
0xd: {  	s9 =	sshrl.u32 s9, $0x3;
	s10 =	sadd.s32 s1, s31;
	s11 =	sadd.s32 s5, s31  }
0xe: {  	v0 =	vmov s25;
	s14 =	smax.u32 s16, $0x1;
	s16 =	simm.s32 $0x6;
	s25 =	sshrl.u32 s26, $0x3  }
0xf: {  	s26 =	simm.s32 $0x1800;
	s15 =	sadd.s32 s9, s7;
	s7 =	sadd.s32 s30, s2  }
0x10: {  	v1 =	vimm.f32 $0.0e+00;
	s9 =	sadd.s32 s5, s13;
	s13 =	sadd.s32 $0x1B200, s15;
	s15 =	simm.s32 $0x4800  }
.LBB2_11:
0x11: {  	s28 =	sadd.s32 $0x1, s28  }
0x12: {  	s0 =	sshll.u32 s3, $0x6;
	p0 =	sne.s32 s28, s14  }
.Ltmp1:
0x13: {  	[bflag:$0x0] =	sbarrier.arrive $0xFFFF;
	s0 =	sor.u32 $0x1C06, s0;
	(pc) =	sbr.rel @!p0 .LBB2_12-.Ltmp1, $4  }
0x14: {  	[hbm:s13], [sflag:s0] =	dma.local [spmem:s25], $0x3200  }
0x15: {  	_ =	swait.ge [sflag:s16], $0x3200  }
0x16: {  	[sflag:s16] =	ssyncset.done $0x0  }
0x17: {  	[sflag:s16] =	ssyncadd.s32 $0xFFFFCE00  }
.LBB2_1:
0x18: {  	s29 =	simm.s32 $0x0  }
.LBB2_2:
0x19: {  	p0 =	sne.s32 s29, $0x1F80  }
.Ltmp2:
0x1a: {  	_ = 	snop;
	(pc) =	sbr.rel @p0 .LBB2_2-.Ltmp2, $4  }
0x1b: {  	_ = 	snop  }
0x1c: {  	s30 =	sshra.s32 s29, $0x2  }
0x1d: {  	[tilespmem:s30+$0x4800] =	vst v1  }
0x1e: {  	s29 =	sadd.s32 $0x80, s29;
	[tilespmem:s30+$0x4810] =	vst v1  }
0x1f: {  	s29 =	sadd.s32 $0x0, s7  }
0x20: {  	[spmem:s29] =	stream.linear.scatter [tilespmem:s15], [sflag:$0x6], $0x800, $0x38;
	[tilespmem:$0x1E000] =	vst v63  }
0x21: {  	s29 =	simm.s32 $0x2000;
	_ =	swait.ge [sflag:s16], $0x800  }
.LBB2_4:
0x22: {  	s30 =	sshra.s32 s29, $0x2;
	[sflag:s16] =	ssyncset.done $0x0;
	p0 =	sne.s32 s29, $0x62000  }
.Ltmp3:
0x23: {  	s30 =	sadd.s32 s30, s7;
	[sflag:s16] =	ssyncadd.s32 $0xFFFFF800;
	(pc) =	sbr.rel @p0 .LBB2_4-.Ltmp3, $3  }
0x24: {  	[spmem:s30] =	stream.linear.scatter [tilespmem:s15], [sflag:$0x6], $0x800, $0x38;
	[tilespmem:$0x1E000] =	vst v63  }
0x25: {  	s29 =	sadd.s32 $0x2000, s29;
	_ =	sdelay $0x1  }
0x26: {  	_ =	swait.ge [sflag:s16], $0x800  }
0x27: {  	[sflag:s16] =	ssyncset.done $0x0  }
0x28: {  	[sflag:s16] =	ssyncadd.s32 $0xFFFFF800  }
0x29: {  	s29 =	simm.s32 $0x0;
	[bflag:$0x0] =	sbarrier.arrive $0xFFFF  }
0x2a: {  	[tilespmem:s29], [sflag:$0x1] =	stream.linear.gather [hbm4b:s8+s29], $0x100, $0x38;
	[tilespmem:$0x1E000] =	vst v63  }
0x2b: {  	s0 =	simm.s32 $0x500  }
0x2c: {  	[tilespmem:s0], [sflag:$0x1] =	stream.linear.gather [hbm4b:s9+s29], $0x100, $0x38;
	[tilespmem:$0x1E000] =	vst v63  }
0x2d: {  	s30 =	simm.s32 $0x100  }
0x2e: {  	[tilespmem:s30], [sflag:$0x2] =	stream.linear.gather [hbm4b:s10+s29], $0x100, $0x38;
	[tilespmem:$0x1E000] =	vst v63  }
0x2f: {  	s31 =	simm.s32 $0x600  }
0x30: {  	[tilespmem:s31], [sflag:$0x2] =	stream.linear.gather [hbm4b:s11+s29], $0x100, $0x38;
	[tilespmem:$0x1E000] =	vst v63  }
0x31: {  	_ =	swait.ge [sflag:s20], $0x100  }
0x32: {  	[sflag:s20] =	ssyncset.done $0x0  }
0x33: {  	[sflag:s20] =	ssyncadd.s32 $0xFFFFFF00  }
0x34: {  	_ =	swait.ge [sflag:s20], $0x100  }
0x35: {  	[sflag:s20] =	ssyncset.done $0x0  }
0x36: {  	[sflag:s20] =	ssyncadd.s32 $0xFFFFFF00  }
0x37: {  	v2 =	vld [tilespmem:$0x0]  }
0x38: {  	v3 =	vld [tilespmem:$0x10]  }
0x39: {  	v4 =	vld [tilespmem:$0x20]  }
0x3a: {  	v5 =	vld [tilespmem:$0x30]  }
0x3b: {  	v6 =	vld [tilespmem:$0x40]  }
0x3c: {  	v7 =	vld [tilespmem:$0x50];
	v2 =	vadd.s32 v0, v2  }
0x3d: {  	[tilespmem:$0x300] =	vst v2;
	v2 =	vadd.s32 v0, v3;
	v3 =	vld [tilespmem:$0x60]  }
0x3e: {  	v56 =	vld [tilespmem:$0x70];
	[tilespmem:$0x310] =	vst v2;
	v2 =	vadd.s32 v0, v4  }
0x3f: {  	v57 =	vld [tilespmem:$0x80];
	[tilespmem:$0x320] =	vst v2;
	v2 =	vadd.s32 v0, v5  }
0x40: {  	v58 =	vld [tilespmem:$0x90];
	[tilespmem:$0x330] =	vst v2;
	v2 =	vadd.s32 v0, v6  }
0x41: {  	v59 =	vld [tilespmem:$0xA0];
	[tilespmem:$0x340] =	vst v2;
	v2 =	vadd.s32 v0, v7  }
0x42: {  	[tilespmem:$0x350] =	vst v2;
	v2 =	vadd.s32 v0, v3;
	v3 =	vld [tilespmem:$0xB0]  }
0x43: {  	v60 =	vld [tilespmem:$0xC0];
	[tilespmem:$0x360] =	vst v2;
	v2 =	vadd.s32 v0, v56  }
0x44: {  	v61 =	vld [tilespmem:$0xD0];
	[tilespmem:$0x370] =	vst v2;
	v2 =	vadd.s32 v0, v57  }
0x45: {  	v62 =	vld [tilespmem:$0xE0];
	[tilespmem:$0x380] =	vst v2;
	v2 =	vadd.s32 v0, v58  }
0x46: {  	v63 =	vld [tilespmem:$0xF0];
	[tilespmem:$0x390] =	vst v2;
	v2 =	vadd.s32 v0, v59  }
0x47: {  	[tilespmem:$0x3A0] =	vst v2;
	v2 =	vadd.s32 v0, v3  }
0x48: {  	[tilespmem:$0x3B0] =	vst v2;
	v2 =	vadd.s32 v0, v60  }
0x49: {  	[tilespmem:$0x3C0] =	vst v2;
	v2 =	vadd.s32 v0, v61  }
0x4a: {  	[tilespmem:$0x3D0] =	vst v2;
	v2 =	vadd.s32 v0, v62  }
.Ltmp4:
0x4b: {  	[tilespmem:$0x3E0] =	vst v2;
	v2 =	vadd.s32 v0, v63;
	(pc) =	sbr.rel .LBB2_6-.Ltmp4, $4  }
0x4c: {  	[tilespmem:$0x3F0] =	vst v2  }
0x4d: {  	[tilespmem:s23], [sflag:$0x4] =	stream.indirect.gather [hbm4b:s6+s21], $0x20, s22, s21, $0xb8;
	[tilespmem:$0x1E000] =	vst v63  }
0x4e: {  	_ = 	snop  }
0x4f: {  	[tilespmem:s26], [sflag:$0x4] =	stream.indirect.gather [hbm4b:s6+s21], $0x20, s24, s21, $0xb8;
	[tilespmem:$0x1E000] =	vst v63  }
.LBB2_7:
0x50: {  	s30 =	sadd.s32 $0x2, s29  }
0x51: {  	s31 =	smul.u32 $0xAB, s30;
	_ =	sdelay $0x1  }
0x52: {  	s31 =	sshrl.u32 s31, $0x9  }
0x53: {  	s31 =	sand.u32 $0x7F, s31  }
0x54: {  	s31 =	smul.u32 $0x3, s31  }
0x55: {  	s0 =	sshll.u32 s30, $0x8  }
0x56: {  	s0 =	sadd.s32 s12, s0;
	s30 =	ssub.s32 s30, s31  }
0x57: {  	s0 =	sshrl.u32 s0, $0x3;
	s30 =	sand.u32 $0xFF, s30  }
0x58: {  	s17 =	sadd.s32 s1, s0;
	s18 =	sadd.s32 $0x1, s30;
	s30 =	sshll.u32 s30, $0x8  }
0x59: {  	[tilespmem:s30], [sflag:s18] =	stream.linear.gather [hbm4b:s17+s4], $0x100, $0x38;
	[tilespmem:$0x1E000] =	vst v63  }
0x5a: {  	s0 =	sadd.s32 s5, s0;
	s19 =	sadd.s32 $0x500, s30;
	s30 =	sadd.s32 $0x1, s29  }
0x5b: {  	[tilespmem:s19], [sflag:s18] =	stream.linear.gather [hbm4b:s0+s4], $0x100, $0x38;
	[tilespmem:$0x1E000] =	vst v63  }
.LBB2_9:
0x5c: {  	s0 =	smul.u32 $0xAB, s30;
	_ =	sdelay $0x1  }
0x5d: {  	s0 =	sshrl.u32 s0, $0x9  }
0x5e: {  	s0 =	sand.u32 $0x7F, s0  }
0x5f: {  	s0 =	smul.u32 $0x3, s0;
	_ =	sdelay $0x1  }
0x60: {  	s0 =	ssub.s32 s30, s0  }
0x61: {  	s0 =	sand.u32 $0xFF, s0  }
0x62: {  	s17 =	sadd.s32 $0x1, s0  }
0x63: {  	_ =	swait.ge [sflag:s17], $0x100  }
0x64: {  	[sflag:s17] =	ssyncset.done $0x0  }
0x65: {  	[sflag:s17] =	ssyncadd.s32 $0xFFFFFF00  }
0x66: {  	_ =	swait.ge [sflag:s17], $0x100  }
0x67: {  	[sflag:s17] =	ssyncset.done $0x0  }
0x68: {  	s0 =	sshll.u32 s0, $0x8;
	[sflag:s17] =	ssyncadd.s32 $0xFFFFFF00  }
0x69: {  	v2 =	vld [tilespmem:s0+$0x0];
	_ =	sdelay $0x3  }
0x6a: {  	s17 =	sand.u32 $0x1, s30  }
0x6b: {  	s31 =	sshll.u32 s17, $0x8;
	v2 =	vadd.s32 v0, v2  }
0x6c: {  	[tilespmem:s31+$0x300] =	vst v2  }
0x6d: {  	v2 =	vld [tilespmem:s0+$0x10];
	_ =	sdelay $0x4  }
0x6e: {  	v2 =	vadd.s32 v0, v2  }
0x6f: {  	[tilespmem:s31+$0x310] =	vst v2  }
0x70: {  	v2 =	vld [tilespmem:s0+$0x20];
	_ =	sdelay $0x4  }
0x71: {  	v2 =	vadd.s32 v0, v2  }
0x72: {  	[tilespmem:s31+$0x320] =	vst v2  }
0x73: {  	v2 =	vld [tilespmem:s0+$0x30];
	_ =	sdelay $0x4  }
0x74: {  	v2 =	vadd.s32 v0, v2  }
0x75: {  	[tilespmem:s31+$0x330] =	vst v2  }
0x76: {  	v2 =	vld [tilespmem:s0+$0x40];
	_ =	sdelay $0x4  }
0x77: {  	v2 =	vadd.s32 v0, v2  }
0x78: {  	[tilespmem:s31+$0x340] =	vst v2  }
0x79: {  	v2 =	vld [tilespmem:s0+$0x50];
	_ =	sdelay $0x4  }
0x7a: {  	v2 =	vadd.s32 v0, v2  }
0x7b: {  	[tilespmem:s31+$0x350] =	vst v2  }
0x7c: {  	v2 =	vld [tilespmem:s0+$0x60];
	_ =	sdelay $0x4  }
0x7d: {  	v2 =	vadd.s32 v0, v2  }
0x7e: {  	[tilespmem:s31+$0x360] =	vst v2  }
0x7f: {  	v2 =	vld [tilespmem:s0+$0x70];
	_ =	sdelay $0x4  }
0x80: {  	v2 =	vadd.s32 v0, v2  }
0x81: {  	[tilespmem:s31+$0x370] =	vst v2  }
0x82: {  	v2 =	vld [tilespmem:s0+$0x80];
	_ =	sdelay $0x4  }
0x83: {  	v2 =	vadd.s32 v0, v2  }
0x84: {  	[tilespmem:s31+$0x380] =	vst v2  }
0x85: {  	v2 =	vld [tilespmem:s0+$0x90];
	_ =	sdelay $0x4  }
0x86: {  	v2 =	vadd.s32 v0, v2  }
0x87: {  	[tilespmem:s31+$0x390] =	vst v2  }
0x88: {  	v2 =	vld [tilespmem:s0+$0xA0];
	_ =	sdelay $0x4  }
0x89: {  	v2 =	vadd.s32 v0, v2  }
0x8a: {  	[tilespmem:s31+$0x3A0] =	vst v2  }
0x8b: {  	v2 =	vld [tilespmem:s0+$0xB0];
	_ =	sdelay $0x4  }
0x8c: {  	v2 =	vadd.s32 v0, v2  }
0x8d: {  	[tilespmem:s31+$0x3B0] =	vst v2  }
0x8e: {  	v2 =	vld [tilespmem:s0+$0xC0];
	_ =	sdelay $0x4  }
0x8f: {  	v2 =	vadd.s32 v0, v2  }
0x90: {  	[tilespmem:s31+$0x3C0] =	vst v2  }
0x91: {  	v2 =	vld [tilespmem:s0+$0xD0];
	_ =	sdelay $0x4  }
0x92: {  	v2 =	vadd.s32 v0, v2  }
0x93: {  	[tilespmem:s31+$0x3D0] =	vst v2  }
0x94: {  	v2 =	vld [tilespmem:s0+$0xE0];
	_ =	sdelay $0x4  }
0x95: {  	v2 =	vadd.s32 v0, v2  }
0x96: {  	[tilespmem:s31+$0x3E0] =	vst v2  }
0x97: {  	v2 =	vld [tilespmem:s0+$0xF0];
	_ =	sdelay $0x4  }
0x98: {  	s0 =	sshll.u32 s17, $0xD;
	v2 =	vadd.s32 v0, v2  }
0x99: {  	s18 =	sadd.s32 $0x300, s31;
	s17 =	sor.u32 $0x4, s17;
	s19 =	sor.u32 $0x800, s0;
	[tilespmem:s31+$0x3F0] =	vst v2  }
0x9a: {  	[tilespmem:s19], [sflag:s17] =	stream.indirect.gather [hbm4b:s6+s21], $0x20, s18, s21, $0xb8;
	[tilespmem:$0x1E000] =	vst v63  }
0x9b: {  	s0 =	sor.u32 $0x1800, s0;
	s19 =	sadd.s32 $0x380, s31;
	s31 =	smov.u32 s30  }
0x9c: {  	[tilespmem:s0], [sflag:s17] =	stream.indirect.gather [hbm4b:s6+s21], $0x20, s19, s21, $0xb8;
	[tilespmem:$0x1E000] =	vst v63  }
.LBB2_10:
0x9d: {  	s0 =	smul.u32 $0xAB, s29;
	_ =	sdelay $0x1  }
0x9e: {  	s0 =	sshrl.u32 s0, $0x9  }
0x9f: {  	s0 =	sand.u32 $0x7F, s0  }
0xa0: {  	s0 =	smul.u32 $0x3, s0  }
0xa1: {  	s17 =	sand.u32 $0x1, s29  }
0xa2: {  	s18 =	sor.u32 $0x4, s17;
	s0 =	ssub.s32 s29, s0  }
0xa3: {  	_ =	swait.ge [sflag:s18], $0x1000;
	s0 =	sand.u32 $0xFF, s0  }
0xa4: {  	s17 =	sshll.u32 s17, $0xD;
	[sflag:s18] =	ssyncset.done $0x0;
	s0 =	sshll.u32 s0, $0x8  }
0xa5: {  	s19 =	sor.u32 $0x800, s17;
	[sflag:s18] =	ssyncadd.s32 $0xFFFFF000;
	s29 =	sadd.s32 $0x500, s0  }
0xa6: {  	[spmem:s2] =	stream.indirect.scatter.add.f32 [tilespmem:s19], [sflag:$0x6], $0x20, s29, s21, $0xb8;
	[tilespmem:$0x1E000] =	vst v63  }
0xa7: {  	_ =	swait.ge [sflag:s16], $0x1000  }
0xa8: {  	[sflag:s16] =	ssyncset.done $0x0  }
0xa9: {  	[sflag:s16] =	ssyncadd.s32 $0xFFFFF000  }
0xaa: {  	_ =	swait.ge [sflag:s18], $0x1000  }
0xab: {  	p0 =	slt.u32 s31, $0xC4;
	s17 =	sor.u32 $0x1800, s17;
	[sflag:s18] =	ssyncset.done $0x0  }
.Ltmp5:
0xac: {  	s0 =	sadd.s32 $0x580, s0;
	[sflag:s18] =	ssyncadd.s32 $0xFFFFF000;
	(pc) =	sbr.rel @!p0 .LBB2_11-.Ltmp5, $4  }
0xad: {  	[spmem:s2] =	stream.indirect.scatter.add.f32 [tilespmem:s17], [sflag:$0x6], $0x20, s0, s21, $0xb8;
	[tilespmem:$0x1E000] =	vst v63  }
0xae: {  	_ =	swait.ge [sflag:s16], $0x1000  }
0xaf: {  	[sflag:s16] =	ssyncset.done $0x0  }
0xb0: {  	s29 =	smov.u32 s31;
	[sflag:s16] =	ssyncadd.s32 $0xFFFFF000  }
.LBB2_6:
0xb1: {  	p0 =	sgt.u32 s29, $0xC1  }
.Ltmp6:
0xb2: {  	_ = 	snop;
	(pc) =	sbr.rel @!p0 .LBB2_7-.Ltmp6, $1  }
0xb3: {  	_ =	sdelay $0x3  }
0xb4: {  	p0 =	seq.s32 s29, $0xC3  }
.Ltmp7:
0xb5: {  	_ = 	snop;
	(pc) =	sbr.rel @p0 .LBB2_10-.Ltmp7, $4  }
.Ltmp8:
0xb6: {  	_ = 	snop;
	(pc) =	sbr.rel @!p0 .LBB2_9-.Ltmp8, $4  }
0xb7: {  	_ = 	snop  }
0xb8: {  	_ = 	snop  }
0xb9: {  	s30 =	simm.s32 $0xC3;
	s31 =	simm.s32 $0xC4  }
0xba: {  	_ = 	snop  }
.LBB2_12:
0xbb: {  	_ =	sfence.sel $0x180000  }
0xbc: {  	[bflag:$0x0] =	sbarrier.arrive $0xFFFF  }
0xbd: {  	_ =	strace $0x9000004A  }
0xbe: {  	[bflag:$0x2] =	sbarrier.arrive $0xFFFF  }
0xbf: {  	p0 =	sne.s32 s3, $0x0;
	s0 =	rddreg [dreg:$0x3]  }
0xc0: {  	s0 =	sadd.s32 @!p0 $0x100000, s0  }
0xc1: {  	[sflag:s0] =	ssyncadd.tile.s32 @!p0 $0x1;
	_ =	shalt  }
.Lfunc_end2:
_tile_overlayer_lowered:
.L_overlay_start_2:
0xc2: {  	(tag) =	ssettag $0x2  }
0xc3: {  	s0 =	rddreg [dreg:$0x0];
	s2 =	stileid.u32  }
0xc4: {  	s1 =	rddreg [dreg:$0x1];
	p0 =	sne.s32 s2, $0x0  }
0xc5: {  	s3 =	rddreg [dreg:$0x2];
	[bflag:$0x3] =	sbarrier.arrive $0xFFFF;
	s2 =	simm.s32 @!p0 $0x1C06  }
0xc6: {  	[timem:s3], [sflag:s2] =	dma.local @!p0 [hbm:s0], s1  }
0xc7: {  	s0 =	simm.s32 @!p0 $0x6  }
0xc8: {  	_ =	swait.ge @!p0 [sflag:s0], s1  }
0xc9: {  	s1 =	ssub.s32 @!p0 $0x0, s1;
	[sflag:s0] =	ssyncset.done @!p0 $0x0  }
0xca: {  	[sflag:s0] =	ssyncadd.s32 @!p0 s1  }
0xcb: {  	[bflag:$0x3] =	sbarrier.arrive $0xFFFF  }
0xcc: {  	_ =	shalt  }

</sc_bundles>
